<compile_context>
chip_gen: v7x
topology: tpu7x:2x2x1
jax: 0.10.2.dev20260603
libtpu: 0.0.44.dev20260713+nightly
codegen_flags: <defaults>
</compile_context>

<pallas_src>
import functools

import jax
import jax.numpy as jnp
from jax import lax
from jax.experimental import pallas as pl
from jax.experimental.pallas import tpu as pltpu
from jax.experimental.pallas import tpu_sc as plsc

DIM = 256
N_ATOMS = 1024
ROWS = 36864
L_TOT = 36
B = 1024
BT = 128
GRID = B // BT


def _argmax_body(x_ref, atoms_ref, idx_ref, an_scratch):
    @pl.when(pl.program_id(0) == 0)
    def _():
        a = atoms_ref[...]
        n = jnp.sqrt(jnp.sum(a * a, axis=1, keepdims=True))
        an_scratch[...] = a / jnp.maximum(n, 1e-12)

    x = x_ref[...].reshape(L_TOT * BT, DIM)
    logits = lax.dot_general(
        x, an_scratch[...],
        dimension_numbers=(((1,), (1,)), ((), ())),
        preferred_element_type=jnp.float32,
    )
    idx = jnp.argmax(logits, axis=1).astype(jnp.int32)
    idx_ref[...] = idx.reshape(1, L_TOT, BT)


def _compute_argmax(embeddings, atoms):
    xt = embeddings.transpose(1, 0, 2)
    return pl.pallas_call(
        _argmax_body,
        grid=(GRID,),
        in_specs=[
            pl.BlockSpec((L_TOT, BT, DIM), lambda t: (0, t, 0)),
            pl.BlockSpec((N_ATOMS, DIM), lambda t: (0, 0)),
        ],
        out_specs=pl.BlockSpec((1, L_TOT, BT), lambda t: (t, 0, 0)),
        out_shape=jax.ShapeDtypeStruct((GRID, L_TOT, BT), jnp.int32),
        scratch_shapes=[pltpu.VMEM((N_ATOMS, DIM), jnp.float32)],
    )(xt, atoms)


_NW = 32
_B_PER_W = ROWS // _NW
_CHUNK = 128
_NCHUNK = _B_PER_W // _CHUNK


def _sc_gather_body(table_hbm, idx_hbm, out_hbm, idx_v, b0, b1, b2,
                    g0, g1, g2, s0, s1, s2):
    bufs, gsem, ssem = (b0, b1, b2), (g0, g1, g2), (s0, s1, s2)
    wid = lax.axis_index("s") * 2 + lax.axis_index("c")
    base = wid * _B_PER_W
    pltpu.sync_copy(idx_hbm.at[wid], idx_v)

    def gather(ch):
        return pltpu.async_copy(
            table_hbm.at[idx_v.at[ch]],
            bufs[ch % 3], gsem[ch % 3])

    gets = {0: gather(0), 1: gather(1)}
    scs = {}
    for ch in range(_NCHUNK):
        nb = ch + 2
        if nb < _NCHUNK:
            if nb >= 3:
                scs[nb - 3].wait()
            gets[nb] = gather(nb)
        gets[ch].wait()
        scs[ch] = pltpu.async_copy(
            bufs[ch % 3], out_hbm.at[pl.ds(base + ch * _CHUNK, _CHUNK)],
            ssem[ch % 3])
    for ch in range(max(0, _NCHUNK - 3), _NCHUNK):
        scs[ch].wait()


@functools.cache
def _sc_gather():
    return pl.kernel(
        _sc_gather_body,
        out_type=jax.ShapeDtypeStruct((ROWS, DIM), jnp.float32),
        mesh=plsc.VectorSubcoreMesh(core_axis_name="c", subcore_axis_name="s"),
        scratch_types=[
            pltpu.VMEM((_NCHUNK, _CHUNK), jnp.int32),
            pltpu.VMEM((_CHUNK, DIM), jnp.float32),
            pltpu.VMEM((_CHUNK, DIM), jnp.float32),
            pltpu.VMEM((_CHUNK, DIM), jnp.float32),
            pltpu.SemaphoreType.DMA,
            pltpu.SemaphoreType.DMA,
            pltpu.SemaphoreType.DMA,
            pltpu.SemaphoreType.DMA,
            pltpu.SemaphoreType.DMA,
            pltpu.SemaphoreType.DMA,
        ],
    )


def kernel(embeddings, atoms, c_ids):
    del c_ids
    idx3 = _compute_argmax(embeddings, atoms)
    v = idx3.transpose(1, 0, 2).reshape(L_TOT, B)
    idx_perm = jnp.concatenate([
        v[:4].reshape(-1),
        v[4:20].T.reshape(-1),
        v[20:36].T.reshape(-1),
    ])
    return _sc_gather()(atoms, idx_perm.reshape(_NW, _NCHUNK, _CHUNK))

# --- scband reference (transcript-rebuilt; emitter-appended) ---
"""Pipeline reference for scband-component-prototypes-35734127902888 (READ-ONLY COPY).

The authoritative reference and input builder live on the scoring server;
editing this copy changes nothing except your own understanding.
"""

import jax, jax.numpy as jnp
import numpy as np

DIM_PROTO = 256
N_ATOMS = 1024
L_A = 4
L_R = 2
S_NBS = 16  # sum(n_nbs_per_hop)
B = 1024


def _normalize(x, axis=-1, eps=1e-12):
    n = jnp.linalg.norm(x, axis=axis, keepdims=True)
    return x / jnp.maximum(n, eps)


def setup_inputs(seed: int = 0) -> dict:
    key = jax.random.key(seed)
    k1, k2, k3 = jax.random.split(key, 3)
    embeddings = jax.random.normal(k1, (B, L_A + L_R * S_NBS, DIM_PROTO), dtype=jnp.float32)
    atoms = jax.random.uniform(k2, (N_ATOMS, DIM_PROTO), dtype=jnp.float32, minval=0.0, maxval=0.5)
    c_ids = jax.random.randint(k3, (B,), 0, 256)
    return {"embeddings": embeddings, "atoms": atoms, "c_ids": c_ids}


def reference(embeddings, atoms, c_ids):
    # Faithful translation of Component_prototypes.update with est_proto=False
    # (inference path: soft correspondence vs normalized atom codebook,
    #  hard one-hot assignment at the max logit, then gather associated prototypes).
    # The codebook is treated as fully populated (num_atoms = N_ATOMS).
    batch_size = c_ids.shape[0]
    d_proto = embeddings.shape[-1]
    # emb_set: per-attribute-channel [B, d] and per-relation-group [B*S_NBS, d]
    emb_set = [embeddings[:, i, :].reshape(-1, d_proto) for i in range(L_A)]
    for i in range(L_A, embeddings.shape[1], S_NBS):
        emb_set.append(embeddings[:, i:i + S_NBS, :].reshape(-1, d_proto))
    atoms_n = _normalize(atoms[0:N_ATOMS], axis=-1)
    outs = []
    for i in range(L_A + L_R):
        embs = emb_set[i]
        soft_corres = embs @ atoms_n.T  # [rows, N_ATOMS]
        max_logits = jnp.max(soft_corres, axis=1).reshape(-1, 1)
        hard_corres = (soft_corres == max_logits).astype(jnp.float32).reshape(-1, N_ATOMS)
        assoc = hard_corres @ atoms[0:N_ATOMS]  # gather associated prototype(s)
        outs.append(assoc)
    return jnp.concatenate(outs, axis=0)  # [L_A*B + L_R*B*S_NBS, d_proto]

if __name__ == "__main__":
    import jax
    _d = setup_inputs()
    print(jax.jit(kernel)(*tuple(_d.values())))

</pallas_src>

<mosaic_0001>
#map = affine_map<(d0, d1) -> (0, 0)>
#map1 = affine_map<(d0, d1) -> (0, 0, 0)>
module attributes {stable_mosaic.version = 14 : i64} {
  func.func @_sc_gather_body(%arg0: i32, %arg1: i32, %arg2: memref<1024x256xf32, #tpu.memory_space<hbm>>, %arg3: memref<32x9x128xi32, #tpu.memory_space<hbm>>, %arg4: memref<36864x256xf32, #tpu.memory_space<hbm>>, %arg5: memref<9x128xi32, #tpu.memory_space<vmem>>, %arg6: memref<128x256xf32, #tpu.memory_space<vmem>>, %arg7: memref<128x256xf32, #tpu.memory_space<vmem>>, %arg8: memref<128x256xf32, #tpu.memory_space<vmem>>, %arg9: memref<!tpu.dma_semaphore, #tpu.memory_space<semaphore_mem>>, %arg10: memref<!tpu.dma_semaphore, #tpu.memory_space<semaphore_mem>>, %arg11: memref<!tpu.dma_semaphore, #tpu.memory_space<semaphore_mem>>, %arg12: memref<!tpu.dma_semaphore, #tpu.memory_space<semaphore_mem>>, %arg13: memref<!tpu.dma_semaphore, #tpu.memory_space<semaphore_mem>>, %arg14: memref<!tpu.dma_semaphore, #tpu.memory_space<semaphore_mem>>) attributes {dimension_semantics = [#tpu.dimension_semantics<core_parallel>, #tpu.dimension_semantics<subcore_parallel>], iteration_bounds = array<i64: 2, 16>, scalar_prefetch = 0 : i64, scratch_operands = 10 : i64, tpu.core_type = #tpu.core_type<sc_vector_subcore>, window_params = [{transform_indices = #map}, {transform_indices = #map1}, {transform_indices = #map}]} {
    %mul3A = arith.constant 2 : i32
    %mul3A_0 = arith.muli %arg1, %mul3A : i32
    %add3A = arith.addi %mul3A_0, %arg0 : i32
    %mul3A_1 = arith.constant 1152 : i32
    %mul3A_2 = arith.muli %add3A, %mul3A_1 : i32
    "tpu.region"() ({
      %run_scoped3A = tpu.sem_alloc : memref<!tpu.dma_semaphore, #tpu.memory_space<semaphore_mem>>
      %dma_start3A_217 = arith.constant 0 : i32
      %dma_start3A_218 = arith.constant 0 : i32
      %dma_start3A_219 = tpu.memref_slice %arg3[%add3A, %dma_start3A_217, %dma_start3A_218] : memref<32x9x128xi32, #tpu.memory_space<hbm>> -> memref<1x9x128xi32, #tpu.memory_space<hbm>>
      %dma_start3A_220 = tpu.memref_squeeze %dma_start3A_219 : memref<1x9x128xi32, #tpu.memory_space<hbm>> -> memref<9x128xi32, #tpu.memory_space<hbm>>
      %dma_start3A_221 = arith.constant 0 : i32
      %dma_start3A_222 = arith.constant 0 : i32
      %dma_start3A_223 = tpu.memref_slice %arg3[%add3A, %dma_start3A_221, %dma_start3A_222] : memref<32x9x128xi32, #tpu.memory_space<hbm>> -> memref<1x9x128xi32, #tpu.memory_space<hbm>>
      %dma_start3A_224 = tpu.memref_squeeze %dma_start3A_223 : memref<1x9x128xi32, #tpu.memory_space<hbm>> -> memref<9x128xi32, #tpu.memory_space<hbm>>
      tpu.enqueue_dma source(%dma_start3A_224 : memref<9x128xi32, #tpu.memory_space<hbm>>) target(%arg5 : memref<9x128xi32, #tpu.memory_space<vmem>>) target_semaphore(%run_scoped3A : memref<!tpu.dma_semaphore, #tpu.memory_space<semaphore_mem>>)
      %dma_wait3A_225 = arith.constant 0 : i32
      %dma_wait3A_226 = arith.constant 0 : i32
      %dma_wait3A_227 = tpu.memref_slice %arg3[%add3A, %dma_wait3A_225, %dma_wait3A_226] : memref<32x9x128xi32, #tpu.memory_space<hbm>> -> memref<1x9x128xi32, #tpu.memory_space<hbm>>
      %dma_wait3A_228 = tpu.memref_squeeze %dma_wait3A_227 : memref<1x9x128xi32, #tpu.memory_space<hbm>> -> memref<9x128xi32, #tpu.memory_space<hbm>>
      %dma_wait3A_229 = arith.constant 0 : i32
      %dma_wait3A_230 = arith.constant 0 : i32
      %dma_wait3A_231 = tpu.memref_slice %arg3[%add3A, %dma_wait3A_229, %dma_wait3A_230] : memref<32x9x128xi32, #tpu.memory_space<hbm>> -> memref<1x9x128xi32, #tpu.memory_space<hbm>>
      %dma_wait3A_232 = tpu.memref_squeeze %dma_wait3A_231 : memref<1x9x128xi32, #tpu.memory_space<hbm>> -> memref<9x128xi32, #tpu.memory_space<hbm>>
      tpu.wait_dma2 semaphore(%run_scoped3A : memref<!tpu.dma_semaphore, #tpu.memory_space<semaphore_mem>>) src(%dma_wait3A_232 : memref<9x128xi32, #tpu.memory_space<hbm>>) dst(%arg5 : memref<9x128xi32, #tpu.memory_space<vmem>>)
      tpu.yield
    }) : () -> ()
    %dma_start3A = arith.constant 0 : i32
    %dma_start3A_3 = arith.constant 0 : i32
    %dma_start3A_4 = tpu.memref_slice %arg5[%dma_start3A, %dma_start3A_3] : memref<9x128xi32, #tpu.memory_space<vmem>> -> memref<1x128xi32, #tpu.memory_space<vmem>>
    %dma_start3A_5 = tpu.memref_squeeze %dma_start3A_4 : memref<1x128xi32, #tpu.memory_space<vmem>> -> memref<128xi32, #tpu.memory_space<vmem>>
    %dma_start3A_6 = arith.constant 0 : i32
    %dma_start3A_7 = arith.constant 0 : i32
    %dma_start3A_8 = tpu.memref_slice %arg2[%dma_start3A_6, %dma_start3A_7] : memref<1024x256xf32, #tpu.memory_space<hbm>> -> memref<1024x256xf32, #tpu.memory_space<hbm>>
    tpu.enqueue_indirect_dma source(%dma_start3A_8 : memref<1024x256xf32, #tpu.memory_space<hbm>>) target(%arg6 : memref<128x256xf32, #tpu.memory_space<vmem>>) offsets(%dma_start3A_5 : memref<128xi32, #tpu.memory_space<vmem>>) semaphore(%arg9 : memref<!tpu.dma_semaphore, #tpu.memory_space<semaphore_mem>>)
    %dma_start3A_9 = arith.constant 1 : i32
    %dma_start3A_10 = arith.constant 0 : i32
    %dma_start3A_11 = tpu.memref_slice %arg5[%dma_start3A_9, %dma_start3A_10] : memref<9x128xi32, #tpu.memory_space<vmem>> -> memref<1x128xi32, #tpu.memory_space<vmem>>
    %dma_start3A_12 = tpu.memref_squeeze %dma_start3A_11 : memref<1x128xi32, #tpu.memory_space<vmem>> -> memref<128xi32, #tpu.memory_space<vmem>>
    %dma_start3A_13 = arith.constant 0 : i32
    %dma_start3A_14 = arith.constant 0 : i32
    %dma_start3A_15 = tpu.memref_slice %arg2[%dma_start3A_13, %dma_start3A_14] : memref<1024x256xf32, #tpu.memory_space<hbm>> -> memref<1024x256xf32, #tpu.memory_space<hbm>>
    tpu.enqueue_indirect_dma source(%dma_start3A_15 : memref<1024x256xf32, #tpu.memory_space<hbm>>) target(%arg7 : memref<128x256xf32, #tpu.memory_space<vmem>>) offsets(%dma_start3A_12 : memref<128xi32, #tpu.memory_space<vmem>>) semaphore(%arg10 : memref<!tpu.dma_semaphore, #tpu.memory_space<semaphore_mem>>)
    %dma_start3A_16 = arith.constant 2 : i32
    %dma_start3A_17 = arith.constant 0 : i32
    %dma_start3A_18 = tpu.memref_slice %arg5[%dma_start3A_16, %dma_start3A_17] : memref<9x128xi32, #tpu.memory_space<vmem>> -> memref<1x128xi32, #tpu.memory_space<vmem>>
    %dma_start3A_19 = tpu.memref_squeeze %dma_start3A_18 : memref<1x128xi32, #tpu.memory_space<vmem>> -> memref<128xi32, #tpu.memory_space<vmem>>
    %dma_start3A_20 = arith.constant 0 : i32
    %dma_start3A_21 = arith.constant 0 : i32
    %dma_start3A_22 = tpu.memref_slice %arg2[%dma_start3A_20, %dma_start3A_21] : memref<1024x256xf32, #tpu.memory_space<hbm>> -> memref<1024x256xf32, #tpu.memory_space<hbm>>
    tpu.enqueue_indirect_dma source(%dma_start3A_22 : memref<1024x256xf32, #tpu.memory_space<hbm>>) target(%arg8 : memref<128x256xf32, #tpu.memory_space<vmem>>) offsets(%dma_start3A_19 : memref<128xi32, #tpu.memory_space<vmem>>) semaphore(%arg11 : memref<!tpu.dma_semaphore, #tpu.memory_space<semaphore_mem>>)
    %dma_wait3A = arith.constant 0 : i32
    %dma_wait3A_23 = arith.constant 0 : i32
    %dma_wait3A_24 = tpu.memref_slice %arg5[%dma_wait3A, %dma_wait3A_23] : memref<9x128xi32, #tpu.memory_space<vmem>> -> memref<1x128xi32, #tpu.memory_space<vmem>>
    %dma_wait3A_25 = tpu.memref_squeeze %dma_wait3A_24 : memref<1x128xi32, #tpu.memory_space<vmem>> -> memref<128xi32, #tpu.memory_space<vmem>>
    %dma_wait3A_26 = arith.constant 0 : i32
    %dma_wait3A_27 = arith.constant 0 : i32
    %dma_wait3A_28 = tpu.memref_slice %arg2[%dma_wait3A_26, %dma_wait3A_27] : memref<1024x256xf32, #tpu.memory_space<hbm>> -> memref<1024x256xf32, #tpu.memory_space<hbm>>
    tpu.wait_indirect_dma semaphore(%arg9 : memref<!tpu.dma_semaphore, #tpu.memory_space<semaphore_mem>>) src(%dma_wait3A_28 : memref<1024x256xf32, #tpu.memory_space<hbm>>) dst(%arg6 : memref<128x256xf32, #tpu.memory_space<vmem>>)
    %add3A_29 = arith.constant 0 : i32
    %add3A_30 = arith.addi %mul3A_2, %add3A_29 : i32
    %dma_start3A_31 = arith.constant 0 : i32
    %dma_start3A_32 = tpu.memref_slice %arg4[%add3A_30, %dma_start3A_31] : memref<36864x256xf32, #tpu.memory_space<hbm>> -> memref<128x256xf32, #tpu.memory_space<hbm>>
    %dma_start3A_33 = arith.constant 0 : i32
    %dma_start3A_34 = tpu.memref_slice %arg4[%add3A_30, %dma_start3A_33] : memref<36864x256xf32, #tpu.memory_space<hbm>> -> memref<128x256xf32, #tpu.memory_space<hbm>>
    tpu.enqueue_dma source(%arg6 : memref<128x256xf32, #tpu.memory_space<vmem>>) target(%dma_start3A_34 : memref<128x256xf32, #tpu.memory_space<hbm>>) target_semaphore(%arg12 : memref<!tpu.dma_semaphore, #tpu.memory_space<semaphore_mem>>)
    %dma_wait3A_35 = arith.constant 0 : i32
    %dma_wait3A_36 = tpu.memref_slice %arg4[%add3A_30, %dma_wait3A_35] : memref<36864x256xf32, #tpu.memory_space<hbm>> -> memref<128x256xf32, #tpu.memory_space<hbm>>
    %dma_wait3A_37 = arith.constant 0 : i32
    %dma_wait3A_38 = tpu.memref_slice %arg4[%add3A_30, %dma_wait3A_37] : memref<36864x256xf32, #tpu.memory_space<hbm>> -> memref<128x256xf32, #tpu.memory_space<hbm>>
    tpu.wait_dma2 semaphore(%arg12 : memref<!tpu.dma_semaphore, #tpu.memory_space<semaphore_mem>>) src(%arg6 : memref<128x256xf32, #tpu.memory_space<vmem>>) dst(%dma_wait3A_38 : memref<128x256xf32, #tpu.memory_space<hbm>>)
    %dma_start3A_39 = arith.constant 3 : i32
    %dma_start3A_40 = arith.constant 0 : i32
    %dma_start3A_41 = tpu.memref_slice %arg5[%dma_start3A_39, %dma_start3A_40] : memref<9x128xi32, #tpu.memory_space<vmem>> -> memref<1x128xi32, #tpu.memory_space<vmem>>
    %dma_start3A_42 = tpu.memref_squeeze %dma_start3A_41 : memref<1x128xi32, #tpu.memory_space<vmem>> -> memref<128xi32, #tpu.memory_space<vmem>>
    %dma_start3A_43 = arith.constant 0 : i32
    %dma_start3A_44 = arith.constant 0 : i32
    %dma_start3A_45 = tpu.memref_slice %arg2[%dma_start3A_43, %dma_start3A_44] : memref<1024x256xf32, #tpu.memory_space<hbm>> -> memref<1024x256xf32, #tpu.memory_space<hbm>>
    tpu.enqueue_indirect_dma source(%dma_start3A_45 : memref<1024x256xf32, #tpu.memory_space<hbm>>) target(%arg6 : memref<128x256xf32, #tpu.memory_space<vmem>>) offsets(%dma_start3A_42 : memref<128xi32, #tpu.memory_space<vmem>>) semaphore(%arg9 : memref<!tpu.dma_semaphore, #tpu.memory_space<semaphore_mem>>)
    %dma_wait3A_46 = arith.constant 1 : i32
    %dma_wait3A_47 = arith.constant 0 : i32
    %dma_wait3A_48 = tpu.memref_slice %arg5[%dma_wait3A_46, %dma_wait3A_47] : memref<9x128xi32, #tpu.memory_space<vmem>> -> memref<1x128xi32, #tpu.memory_space<vmem>>
    %dma_wait3A_49 = tpu.memref_squeeze %dma_wait3A_48 : memref<1x128xi32, #tpu.memory_space<vmem>> -> memref<128xi32, #tpu.memory_space<vmem>>
    %dma_wait3A_50 = arith.constant 0 : i32
    %dma_wait3A_51 = arith.constant 0 : i32
    %dma_wait3A_52 = tpu.memref_slice %arg2[%dma_wait3A_50, %dma_wait3A_51] : memref<1024x256xf32, #tpu.memory_space<hbm>> -> memref<1024x256xf32, #tpu.memory_space<hbm>>
    tpu.wait_indirect_dma semaphore(%arg10 : memref<!tpu.dma_semaphore, #tpu.memory_space<semaphore_mem>>) src(%dma_wait3A_52 : memref<1024x256xf32, #tpu.memory_space<hbm>>) dst(%arg7 : memref<128x256xf32, #tpu.memory_space<vmem>>)
    %add3A_53 = arith.constant 128 : i32
    %add3A_54 = arith.addi %mul3A_2, %add3A_53 : i32
    %dma_start3A_55 = arith.constant 0 : i32
    %dma_start3A_56 = tpu.memref_slice %arg4[%add3A_54, %dma_start3A_55] : memref<36864x256xf32, #tpu.memory_space<hbm>> -> memref<128x256xf32, #tpu.memory_space<hbm>>
    %dma_start3A_57 = arith.constant 0 : i32
    %dma_start3A_58 = tpu.memref_slice %arg4[%add3A_54, %dma_start3A_57] : memref<36864x256xf32, #tpu.memory_space<hbm>> -> memref<128x256xf32, #tpu.memory_space<hbm>>
    tpu.enqueue_dma source(%arg7 : memref<128x256xf32, #tpu.memory_space<vmem>>) target(%dma_start3A_58 : memref<128x256xf32, #tpu.memory_space<hbm>>) target_semaphore(%arg13 : memref<!tpu.dma_semaphore, #tpu.memory_space<semaphore_mem>>)
    %dma_wait3A_59 = arith.constant 0 : i32
    %dma_wait3A_60 = tpu.memref_slice %arg4[%add3A_54, %dma_wait3A_59] : memref<36864x256xf32, #tpu.memory_space<hbm>> -> memref<128x256xf32, #tpu.memory_space<hbm>>
    %dma_wait3A_61 = arith.constant 0 : i32
    %dma_wait3A_62 = tpu.memref_slice %arg4[%add3A_54, %dma_wait3A_61] : memref<36864x256xf32, #tpu.memory_space<hbm>> -> memref<128x256xf32, #tpu.memory_space<hbm>>
    tpu.wait_dma2 semaphore(%arg13 : memref<!tpu.dma_semaphore, #tpu.memory_space<semaphore_mem>>) src(%arg7 : memref<128x256xf32, #tpu.memory_space<vmem>>) dst(%dma_wait3A_62 : memref<128x256xf32, #tpu.memory_space<hbm>>)
    %dma_start3A_63 = arith.constant 4 : i32
    %dma_start3A_64 = arith.constant 0 : i32
    %dma_start3A_65 = tpu.memref_slice %arg5[%dma_start3A_63, %dma_start3A_64] : memref<9x128xi32, #tpu.memory_space<vmem>> -> memref<1x128xi32, #tpu.memory_space<vmem>>
    %dma_start3A_66 = tpu.memref_squeeze %dma_start3A_65 : memref<1x128xi32, #tpu.memory_space<vmem>> -> memref<128xi32, #tpu.memory_space<vmem>>
    %dma_start3A_67 = arith.constant 0 : i32
    %dma_start3A_68 = arith.constant 0 : i32
    %dma_start3A_69 = tpu.memref_slice %arg2[%dma_start3A_67, %dma_start3A_68] : memref<1024x256xf32, #tpu.memory_space<hbm>> -> memref<1024x256xf32, #tpu.memory_space<hbm>>
    tpu.enqueue_indirect_dma source(%dma_start3A_69 : memref<1024x256xf32, #tpu.memory_space<hbm>>) target(%arg7 : memref<128x256xf32, #tpu.memory_space<vmem>>) offsets(%dma_start3A_66 : memref<128xi32, #tpu.memory_space<vmem>>) semaphore(%arg10 : memref<!tpu.dma_semaphore, #tpu.memory_space<semaphore_mem>>)
    %dma_wait3A_70 = arith.constant 2 : i32
    %dma_wait3A_71 = arith.constant 0 : i32
    %dma_wait3A_72 = tpu.memref_slice %arg5[%dma_wait3A_70, %dma_wait3A_71] : memref<9x128xi32, #tpu.memory_space<vmem>> -> memref<1x128xi32, #tpu.memory_space<vmem>>
    %dma_wait3A_73 = tpu.memref_squeeze %dma_wait3A_72 : memref<1x128xi32, #tpu.memory_space<vmem>> -> memref<128xi32, #tpu.memory_space<vmem>>
    %dma_wait3A_74 = arith.constant 0 : i32
    %dma_wait3A_75 = arith.constant 0 : i32
    %dma_wait3A_76 = tpu.memref_slice %arg2[%dma_wait3A_74, %dma_wait3A_75] : memref<1024x256xf32, #tpu.memory_space<hbm>> -> memref<1024x256xf32, #tpu.memory_space<hbm>>
    tpu.wait_indirect_dma semaphore(%arg11 : memref<!tpu.dma_semaphore, #tpu.memory_space<semaphore_mem>>) src(%dma_wait3A_76 : memref<1024x256xf32, #tpu.memory_space<hbm>>) dst(%arg8 : memref<128x256xf32, #tpu.memory_space<vmem>>)
    %add3A_77 = arith.constant 256 : i32
    %add3A_78 = arith.addi %mul3A_2, %add3A_77 : i32
    %dma_start3A_79 = arith.constant 0 : i32
    %dma_start3A_80 = tpu.memref_slice %arg4[%add3A_78, %dma_start3A_79] : memref<36864x256xf32, #tpu.memory_space<hbm>> -> memref<128x256xf32, #tpu.memory_space<hbm>>
    %dma_start3A_81 = arith.constant 0 : i32
    %dma_start3A_82 = tpu.memref_slice %arg4[%add3A_78, %dma_start3A_81] : memref<36864x256xf32, #tpu.memory_space<hbm>> -> memref<128x256xf32, #tpu.memory_space<hbm>>
    tpu.enqueue_dma source(%arg8 : memref<128x256xf32, #tpu.memory_space<vmem>>) target(%dma_start3A_82 : memref<128x256xf32, #tpu.memory_space<hbm>>) target_semaphore(%arg14 : memref<!tpu.dma_semaphore, #tpu.memory_space<semaphore_mem>>)
    %dma_wait3A_83 = arith.constant 0 : i32
    %dma_wait3A_84 = tpu.memref_slice %arg4[%add3A_78, %dma_wait3A_83] : memref<36864x256xf32, #tpu.memory_space<hbm>> -> memref<128x256xf32, #tpu.memory_space<hbm>>
    %dma_wait3A_85 = arith.constant 0 : i32
    %dma_wait3A_86 = tpu.memref_slice %arg4[%add3A_78, %dma_wait3A_85] : memref<36864x256xf32, #tpu.memory_space<hbm>> -> memref<128x256xf32, #tpu.memory_space<hbm>>
    tpu.wait_dma2 semaphore(%arg14 : memref<!tpu.dma_semaphore, #tpu.memory_space<semaphore_mem>>) src(%arg8 : memref<128x256xf32, #tpu.memory_space<vmem>>) dst(%dma_wait3A_86 : memref<128x256xf32, #tpu.memory_space<hbm>>)
    %dma_start3A_87 = arith.constant 5 : i32
    %dma_start3A_88 = arith.constant 0 : i32
    %dma_start3A_89 = tpu.memref_slice %arg5[%dma_start3A_87, %dma_start3A_88] : memref<9x128xi32, #tpu.memory_space<vmem>> -> memref<1x128xi32, #tpu.memory_space<vmem>>
    %dma_start3A_90 = tpu.memref_squeeze %dma_start3A_89 : memref<1x128xi32, #tpu.memory_space<vmem>> -> memref<128xi32, #tpu.memory_space<vmem>>
    %dma_start3A_91 = arith.constant 0 : i32
    %dma_start3A_92 = arith.constant 0 : i32
    %dma_start3A_93 = tpu.memref_slice %arg2[%dma_start3A_91, %dma_start3A_92] : memref<1024x256xf32, #tpu.memory_space<hbm>> -> memref<1024x256xf32, #tpu.memory_space<hbm>>
    tpu.enqueue_indirect_dma source(%dma_start3A_93 : memref<1024x256xf32, #tpu.memory_space<hbm>>) target(%arg8 : memref<128x256xf32, #tpu.memory_space<vmem>>) offsets(%dma_start3A_90 : memref<128xi32, #tpu.memory_space<vmem>>) semaphore(%arg11 : memref<!tpu.dma_semaphore, #tpu.memory_space<semaphore_mem>>)
    %dma_wait3A_94 = arith.constant 3 : i32
    %dma_wait3A_95 = arith.constant 0 : i32
    %dma_wait3A_96 = tpu.memref_slice %arg5[%dma_wait3A_94, %dma_wait3A_95] : memref<9x128xi32, #tpu.memory_space<vmem>> -> memref<1x128xi32, #tpu.memory_space<vmem>>
    %dma_wait3A_97 = tpu.memref_squeeze %dma_wait3A_96 : memref<1x128xi32, #tpu.memory_space<vmem>> -> memref<128xi32, #tpu.memory_space<vmem>>
    %dma_wait3A_98 = arith.constant 0 : i32
    %dma_wait3A_99 = arith.constant 0 : i32
    %dma_wait3A_100 = tpu.memref_slice %arg2[%dma_wait3A_98, %dma_wait3A_99] : memref<1024x256xf32, #tpu.memory_space<hbm>> -> memref<1024x256xf32, #tpu.memory_space<hbm>>
    tpu.wait_indirect_dma semaphore(%arg9 : memref<!tpu.dma_semaphore, #tpu.memory_space<semaphore_mem>>) src(%dma_wait3A_100 : memref<1024x256xf32, #tpu.memory_space<hbm>>) dst(%arg6 : memref<128x256xf32, #tpu.memory_space<vmem>>)
    %add3A_101 = arith.constant 384 : i32
    %add3A_102 = arith.addi %mul3A_2, %add3A_101 : i32
    %dma_start3A_103 = arith.constant 0 : i32
    %dma_start3A_104 = tpu.memref_slice %arg4[%add3A_102, %dma_start3A_103] : memref<36864x256xf32, #tpu.memory_space<hbm>> -> memref<128x256xf32, #tpu.memory_space<hbm>>
    %dma_start3A_105 = arith.constant 0 : i32
    %dma_start3A_106 = tpu.memref_slice %arg4[%add3A_102, %dma_start3A_105] : memref<36864x256xf32, #tpu.memory_space<hbm>> -> memref<128x256xf32, #tpu.memory_space<hbm>>
    tpu.enqueue_dma source(%arg6 : memref<128x256xf32, #tpu.memory_space<vmem>>) target(%dma_start3A_106 : memref<128x256xf32, #tpu.memory_space<hbm>>) target_semaphore(%arg12 : memref<!tpu.dma_semaphore, #tpu.memory_space<semaphore_mem>>)
    %dma_wait3A_107 = arith.constant 0 : i32
    %dma_wait3A_108 = tpu.memref_slice %arg4[%add3A_102, %dma_wait3A_107] : memref<36864x256xf32, #tpu.memory_space<hbm>> -> memref<128x256xf32, #tpu.memory_space<hbm>>
    %dma_wait3A_109 = arith.constant 0 : i32
    %dma_wait3A_110 = tpu.memref_slice %arg4[%add3A_102, %dma_wait3A_109] : memref<36864x256xf32, #tpu.memory_space<hbm>> -> memref<128x256xf32, #tpu.memory_space<hbm>>
    tpu.wait_dma2 semaphore(%arg12 : memref<!tpu.dma_semaphore, #tpu.memory_space<semaphore_mem>>) src(%arg6 : memref<128x256xf32, #tpu.memory_space<vmem>>) dst(%dma_wait3A_110 : memref<128x256xf32, #tpu.memory_space<hbm>>)
    %dma_start3A_111 = arith.constant 6 : i32
    %dma_start3A_112 = arith.constant 0 : i32
    %dma_start3A_113 = tpu.memref_slice %arg5[%dma_start3A_111, %dma_start3A_112] : memref<9x128xi32, #tpu.memory_space<vmem>> -> memref<1x128xi32, #tpu.memory_space<vmem>>
    %dma_start3A_114 = tpu.memref_squeeze %dma_start3A_113 : memref<1x128xi32, #tpu.memory_space<vmem>> -> memref<128xi32, #tpu.memory_space<vmem>>
    %dma_start3A_115 = arith.constant 0 : i32
    %dma_start3A_116 = arith.constant 0 : i32
    %dma_start3A_117 = tpu.memref_slice %arg2[%dma_start3A_115, %dma_start3A_116] : memref<1024x256xf32, #tpu.memory_space<hbm>> -> memref<1024x256xf32, #tpu.memory_space<hbm>>
    tpu.enqueue_indirect_dma source(%dma_start3A_117 : memref<1024x256xf32, #tpu.memory_space<hbm>>) target(%arg6 : memref<128x256xf32, #tpu.memory_space<vmem>>) offsets(%dma_start3A_114 : memref<128xi32, #tpu.memory_space<vmem>>) semaphore(%arg9 : memref<!tpu.dma_semaphore, #tpu.memory_space<semaphore_mem>>)
    %dma_wait3A_118 = arith.constant 4 : i32
    %dma_wait3A_119 = arith.constant 0 : i32
    %dma_wait3A_120 = tpu.memref_slice %arg5[%dma_wait3A_118, %dma_wait3A_119] : memref<9x128xi32, #tpu.memory_space<vmem>> -> memref<1x128xi32, #tpu.memory_space<vmem>>
    %dma_wait3A_121 = tpu.memref_squeeze %dma_wait3A_120 : memref<1x128xi32, #tpu.memory_space<vmem>> -> memref<128xi32, #tpu.memory_space<vmem>>
    %dma_wait3A_122 = arith.constant 0 : i32
    %dma_wait3A_123 = arith.constant 0 : i32
    %dma_wait3A_124 = tpu.memref_slice %arg2[%dma_wait3A_122, %dma_wait3A_123] : memref<1024x256xf32, #tpu.memory_space<hbm>> -> memref<1024x256xf32, #tpu.memory_space<hbm>>
    tpu.wait_indirect_dma semaphore(%arg10 : memref<!tpu.dma_semaphore, #tpu.memory_space<semaphore_mem>>) src(%dma_wait3A_124 : memref<1024x256xf32, #tpu.memory_space<hbm>>) dst(%arg7 : memref<128x256xf32, #tpu.memory_space<vmem>>)
    %add3A_125 = arith.constant 512 : i32
    %add3A_126 = arith.addi %mul3A_2, %add3A_125 : i32
    %dma_start3A_127 = arith.constant 0 : i32
    %dma_start3A_128 = tpu.memref_slice %arg4[%add3A_126, %dma_start3A_127] : memref<36864x256xf32, #tpu.memory_space<hbm>> -> memref<128x256xf32, #tpu.memory_space<hbm>>
    %dma_start3A_129 = arith.constant 0 : i32
    %dma_start3A_130 = tpu.memref_slice %arg4[%add3A_126, %dma_start3A_129] : memref<36864x256xf32, #tpu.memory_space<hbm>> -> memref<128x256xf32, #tpu.memory_space<hbm>>
    tpu.enqueue_dma source(%arg7 : memref<128x256xf32, #tpu.memory_space<vmem>>) target(%dma_start3A_130 : memref<128x256xf32, #tpu.memory_space<hbm>>) target_semaphore(%arg13 : memref<!tpu.dma_semaphore, #tpu.memory_space<semaphore_mem>>)
    %dma_wait3A_131 = arith.constant 0 : i32
    %dma_wait3A_132 = tpu.memref_slice %arg4[%add3A_126, %dma_wait3A_131] : memref<36864x256xf32, #tpu.memory_space<hbm>> -> memref<128x256xf32, #tpu.memory_space<hbm>>
    %dma_wait3A_133 = arith.constant 0 : i32
    %dma_wait3A_134 = tpu.memref_slice %arg4[%add3A_126, %dma_wait3A_133] : memref<36864x256xf32, #tpu.memory_space<hbm>> -> memref<128x256xf32, #tpu.memory_space<hbm>>
    tpu.wait_dma2 semaphore(%arg13 : memref<!tpu.dma_semaphore, #tpu.memory_space<semaphore_mem>>) src(%arg7 : memref<128x256xf32, #tpu.memory_space<vmem>>) dst(%dma_wait3A_134 : memref<128x256xf32, #tpu.memory_space<hbm>>)
    %dma_start3A_135 = arith.constant 7 : i32
    %dma_start3A_136 = arith.constant 0 : i32
    %dma_start3A_137 = tpu.memref_slice %arg5[%dma_start3A_135, %dma_start3A_136] : memref<9x128xi32, #tpu.memory_space<vmem>> -> memref<1x128xi32, #tpu.memory_space<vmem>>
    %dma_start3A_138 = tpu.memref_squeeze %dma_start3A_137 : memref<1x128xi32, #tpu.memory_space<vmem>> -> memref<128xi32, #tpu.memory_space<vmem>>
    %dma_start3A_139 = arith.constant 0 : i32
    %dma_start3A_140 = arith.constant 0 : i32
    %dma_start3A_141 = tpu.memref_slice %arg2[%dma_start3A_139, %dma_start3A_140] : memref<1024x256xf32, #tpu.memory_space<hbm>> -> memref<1024x256xf32, #tpu.memory_space<hbm>>
    tpu.enqueue_indirect_dma source(%dma_start3A_141 : memref<1024x256xf32, #tpu.memory_space<hbm>>) target(%arg7 : memref<128x256xf32, #tpu.memory_space<vmem>>) offsets(%dma_start3A_138 : memref<128xi32, #tpu.memory_space<vmem>>) semaphore(%arg10 : memref<!tpu.dma_semaphore, #tpu.memory_space<semaphore_mem>>)
    %dma_wait3A_142 = arith.constant 5 : i32
    %dma_wait3A_143 = arith.constant 0 : i32
    %dma_wait3A_144 = tpu.memref_slice %arg5[%dma_wait3A_142, %dma_wait3A_143] : memref<9x128xi32, #tpu.memory_space<vmem>> -> memref<1x128xi32, #tpu.memory_space<vmem>>
    %dma_wait3A_145 = tpu.memref_squeeze %dma_wait3A_144 : memref<1x128xi32, #tpu.memory_space<vmem>> -> memref<128xi32, #tpu.memory_space<vmem>>
    %dma_wait3A_146 = arith.constant 0 : i32
    %dma_wait3A_147 = arith.constant 0 : i32
    %dma_wait3A_148 = tpu.memref_slice %arg2[%dma_wait3A_146, %dma_wait3A_147] : memref<1024x256xf32, #tpu.memory_space<hbm>> -> memref<1024x256xf32, #tpu.memory_space<hbm>>
    tpu.wait_indirect_dma semaphore(%arg11 : memref<!tpu.dma_semaphore, #tpu.memory_space<semaphore_mem>>) src(%dma_wait3A_148 : memref<1024x256xf32, #tpu.memory_space<hbm>>) dst(%arg8 : memref<128x256xf32, #tpu.memory_space<vmem>>)
    %add3A_149 = arith.constant 640 : i32
    %add3A_150 = arith.addi %mul3A_2, %add3A_149 : i32
    %dma_start3A_151 = arith.constant 0 : i32
    %dma_start3A_152 = tpu.memref_slice %arg4[%add3A_150, %dma_start3A_151] : memref<36864x256xf32, #tpu.memory_space<hbm>> -> memref<128x256xf32, #tpu.memory_space<hbm>>
    %dma_start3A_153 = arith.constant 0 : i32
    %dma_start3A_154 = tpu.memref_slice %arg4[%add3A_150, %dma_start3A_153] : memref<36864x256xf32, #tpu.memory_space<hbm>> -> memref<128x256xf32, #tpu.memory_space<hbm>>
    tpu.enqueue_dma source(%arg8 : memref<128x256xf32, #tpu.memory_space<vmem>>) target(%dma_start3A_154 : memref<128x256xf32, #tpu.memory_space<hbm>>) target_semaphore(%arg14 : memref<!tpu.dma_semaphore, #tpu.memory_space<semaphore_mem>>)
    %dma_wait3A_155 = arith.constant 0 : i32
    %dma_wait3A_156 = tpu.memref_slice %arg4[%add3A_150, %dma_wait3A_155] : memref<36864x256xf32, #tpu.memory_space<hbm>> -> memref<128x256xf32, #tpu.memory_space<hbm>>
    %dma_wait3A_157 = arith.constant 0 : i32
    %dma_wait3A_158 = tpu.memref_slice %arg4[%add3A_150, %dma_wait3A_157] : memref<36864x256xf32, #tpu.memory_space<hbm>> -> memref<128x256xf32, #tpu.memory_space<hbm>>
    tpu.wait_dma2 semaphore(%arg14 : memref<!tpu.dma_semaphore, #tpu.memory_space<semaphore_mem>>) src(%arg8 : memref<128x256xf32, #tpu.memory_space<vmem>>) dst(%dma_wait3A_158 : memref<128x256xf32, #tpu.memory_space<hbm>>)
    %dma_start3A_159 = arith.constant 8 : i32
    %dma_start3A_160 = arith.constant 0 : i32
    %dma_start3A_161 = tpu.memref_slice %arg5[%dma_start3A_159, %dma_start3A_160] : memref<9x128xi32, #tpu.memory_space<vmem>> -> memref<1x128xi32, #tpu.memory_space<vmem>>
    %dma_start3A_162 = tpu.memref_squeeze %dma_start3A_161 : memref<1x128xi32, #tpu.memory_space<vmem>> -> memref<128xi32, #tpu.memory_space<vmem>>
    %dma_start3A_163 = arith.constant 0 : i32
    %dma_start3A_164 = arith.constant 0 : i32
    %dma_start3A_165 = tpu.memref_slice %arg2[%dma_start3A_163, %dma_start3A_164] : memref<1024x256xf32, #tpu.memory_space<hbm>> -> memref<1024x256xf32, #tpu.memory_space<hbm>>
    tpu.enqueue_indirect_dma source(%dma_start3A_165 : memref<1024x256xf32, #tpu.memory_space<hbm>>) target(%arg8 : memref<128x256xf32, #tpu.memory_space<vmem>>) offsets(%dma_start3A_162 : memref<128xi32, #tpu.memory_space<vmem>>) semaphore(%arg11 : memref<!tpu.dma_semaphore, #tpu.memory_space<semaphore_mem>>)
    %dma_wait3A_166 = arith.constant 6 : i32
    %dma_wait3A_167 = arith.constant 0 : i32
    %dma_wait3A_168 = tpu.memref_slice %arg5[%dma_wait3A_166, %dma_wait3A_167] : memref<9x128xi32, #tpu.memory_space<vmem>> -> memref<1x128xi32, #tpu.memory_space<vmem>>
    %dma_wait3A_169 = tpu.memref_squeeze %dma_wait3A_168 : memref<1x128xi32, #tpu.memory_space<vmem>> -> memref<128xi32, #tpu.memory_space<vmem>>
    %dma_wait3A_170 = arith.constant 0 : i32
    %dma_wait3A_171 = arith.constant 0 : i32
    %dma_wait3A_172 = tpu.memref_slice %arg2[%dma_wait3A_170, %dma_wait3A_171] : memref<1024x256xf32, #tpu.memory_space<hbm>> -> memref<1024x256xf32, #tpu.memory_space<hbm>>
    tpu.wait_indirect_dma semaphore(%arg9 : memref<!tpu.dma_semaphore, #tpu.memory_space<semaphore_mem>>) src(%dma_wait3A_172 : memref<1024x256xf32, #tpu.memory_space<hbm>>) dst(%arg6 : memref<128x256xf32, #tpu.memory_space<vmem>>)
    %add3A_173 = arith.constant 768 : i32
    %add3A_174 = arith.addi %mul3A_2, %add3A_173 : i32
    %dma_start3A_175 = arith.constant 0 : i32
    %dma_start3A_176 = tpu.memref_slice %arg4[%add3A_174, %dma_start3A_175] : memref<36864x256xf32, #tpu.memory_space<hbm>> -> memref<128x256xf32, #tpu.memory_space<hbm>>
    %dma_start3A_177 = arith.constant 0 : i32
    %dma_start3A_178 = tpu.memref_slice %arg4[%add3A_174, %dma_start3A_177] : memref<36864x256xf32, #tpu.memory_space<hbm>> -> memref<128x256xf32, #tpu.memory_space<hbm>>
    tpu.enqueue_dma source(%arg6 : memref<128x256xf32, #tpu.memory_space<vmem>>) target(%dma_start3A_178 : memref<128x256xf32, #tpu.memory_space<hbm>>) target_semaphore(%arg12 : memref<!tpu.dma_semaphore, #tpu.memory_space<semaphore_mem>>)
    %dma_wait3A_179 = arith.constant 7 : i32
    %dma_wait3A_180 = arith.constant 0 : i32
    %dma_wait3A_181 = tpu.memref_slice %arg5[%dma_wait3A_179, %dma_wait3A_180] : memref<9x128xi32, #tpu.memory_space<vmem>> -> memref<1x128xi32, #tpu.memory_space<vmem>>
    %dma_wait3A_182 = tpu.memref_squeeze %dma_wait3A_181 : memref<1x128xi32, #tpu.memory_space<vmem>> -> memref<128xi32, #tpu.memory_space<vmem>>
    %dma_wait3A_183 = arith.constant 0 : i32
    %dma_wait3A_184 = arith.constant 0 : i32
    %dma_wait3A_185 = tpu.memref_slice %arg2[%dma_wait3A_183, %dma_wait3A_184] : memref<1024x256xf32, #tpu.memory_space<hbm>> -> memref<1024x256xf32, #tpu.memory_space<hbm>>
    tpu.wait_indirect_dma semaphore(%arg10 : memref<!tpu.dma_semaphore, #tpu.memory_space<semaphore_mem>>) src(%dma_wait3A_185 : memref<1024x256xf32, #tpu.memory_space<hbm>>) dst(%arg7 : memref<128x256xf32, #tpu.memory_space<vmem>>)
    %add3A_186 = arith.constant 896 : i32
    %add3A_187 = arith.addi %mul3A_2, %add3A_186 : i32
    %dma_start3A_188 = arith.constant 0 : i32
    %dma_start3A_189 = tpu.memref_slice %arg4[%add3A_187, %dma_start3A_188] : memref<36864x256xf32, #tpu.memory_space<hbm>> -> memref<128x256xf32, #tpu.memory_space<hbm>>
    %dma_start3A_190 = arith.constant 0 : i32
    %dma_start3A_191 = tpu.memref_slice %arg4[%add3A_187, %dma_start3A_190] : memref<36864x256xf32, #tpu.memory_space<hbm>> -> memref<128x256xf32, #tpu.memory_space<hbm>>
    tpu.enqueue_dma source(%arg7 : memref<128x256xf32, #tpu.memory_space<vmem>>) target(%dma_start3A_191 : memref<128x256xf32, #tpu.memory_space<hbm>>) target_semaphore(%arg13 : memref<!tpu.dma_semaphore, #tpu.memory_space<semaphore_mem>>)
    %dma_wait3A_192 = arith.constant 8 : i32
    %dma_wait3A_193 = arith.constant 0 : i32
    %dma_wait3A_194 = tpu.memref_slice %arg5[%dma_wait3A_192, %dma_wait3A_193] : memref<9x128xi32, #tpu.memory_space<vmem>> -> memref<1x128xi32, #tpu.memory_space<vmem>>
    %dma_wait3A_195 = tpu.memref_squeeze %dma_wait3A_194 : memref<1x128xi32, #tpu.memory_space<vmem>> -> memref<128xi32, #tpu.memory_space<vmem>>
    %dma_wait3A_196 = arith.constant 0 : i32
    %dma_wait3A_197 = arith.constant 0 : i32
    %dma_wait3A_198 = tpu.memref_slice %arg2[%dma_wait3A_196, %dma_wait3A_197] : memref<1024x256xf32, #tpu.memory_space<hbm>> -> memref<1024x256xf32, #tpu.memory_space<hbm>>
    tpu.wait_indirect_dma semaphore(%arg11 : memref<!tpu.dma_semaphore, #tpu.memory_space<semaphore_mem>>) src(%dma_wait3A_198 : memref<1024x256xf32, #tpu.memory_space<hbm>>) dst(%arg8 : memref<128x256xf32, #tpu.memory_space<vmem>>)
    %add3A_199 = arith.constant 1024 : i32
    %add3A_200 = arith.addi %mul3A_2, %add3A_199 : i32
    %dma_start3A_201 = arith.constant 0 : i32
    %dma_start3A_202 = tpu.memref_slice %arg4[%add3A_200, %dma_start3A_201] : memref<36864x256xf32, #tpu.memory_space<hbm>> -> memref<128x256xf32, #tpu.memory_space<hbm>>
    %dma_start3A_203 = arith.constant 0 : i32
    %dma_start3A_204 = tpu.memref_slice %arg4[%add3A_200, %dma_start3A_203] : memref<36864x256xf32, #tpu.memory_space<hbm>> -> memref<128x256xf32, #tpu.memory_space<hbm>>
    tpu.enqueue_dma source(%arg8 : memref<128x256xf32, #tpu.memory_space<vmem>>) target(%dma_start3A_204 : memref<128x256xf32, #tpu.memory_space<hbm>>) target_semaphore(%arg14 : memref<!tpu.dma_semaphore, #tpu.memory_space<semaphore_mem>>)
    %dma_wait3A_205 = arith.constant 0 : i32
    %dma_wait3A_206 = tpu.memref_slice %arg4[%add3A_174, %dma_wait3A_205] : memref<36864x256xf32, #tpu.memory_space<hbm>> -> memref<128x256xf32, #tpu.memory_space<hbm>>
    %dma_wait3A_207 = arith.constant 0 : i32
    %dma_wait3A_208 = tpu.memref_slice %arg4[%add3A_174, %dma_wait3A_207] : memref<36864x256xf32, #tpu.memory_space<hbm>> -> memref<128x256xf32, #tpu.memory_space<hbm>>
    tpu.wait_dma2 semaphore(%arg12 : memref<!tpu.dma_semaphore, #tpu.memory_space<semaphore_mem>>) src(%arg6 : memref<128x256xf32, #tpu.memory_space<vmem>>) dst(%dma_wait3A_208 : memref<128x256xf32, #tpu.memory_space<hbm>>)
    %dma_wait3A_209 = arith.constant 0 : i32
    %dma_wait3A_210 = tpu.memref_slice %arg4[%add3A_187, %dma_wait3A_209] : memref<36864x256xf32, #tpu.memory_space<hbm>> -> memref<128x256xf32, #tpu.memory_space<hbm>>
    %dma_wait3A_211 = arith.constant 0 : i32
    %dma_wait3A_212 = tpu.memref_slice %arg4[%add3A_187, %dma_wait3A_211] : memref<36864x256xf32, #tpu.memory_space<hbm>> -> memref<128x256xf32, #tpu.memory_space<hbm>>
    tpu.wait_dma2 semaphore(%arg13 : memref<!tpu.dma_semaphore, #tpu.memory_space<semaphore_mem>>) src(%arg7 : memref<128x256xf32, #tpu.memory_space<vmem>>) dst(%dma_wait3A_212 : memref<128x256xf32, #tpu.memory_space<hbm>>)
    %dma_wait3A_213 = arith.constant 0 : i32
    %dma_wait3A_214 = tpu.memref_slice %arg4[%add3A_200, %dma_wait3A_213] : memref<36864x256xf32, #tpu.memory_space<hbm>> -> memref<128x256xf32, #tpu.memory_space<hbm>>
    %dma_wait3A_215 = arith.constant 0 : i32
    %dma_wait3A_216 = tpu.memref_slice %arg4[%add3A_200, %dma_wait3A_215] : memref<36864x256xf32, #tpu.memory_space<hbm>> -> memref<128x256xf32, #tpu.memory_space<hbm>>
    tpu.wait_dma2 semaphore(%arg14 : memref<!tpu.dma_semaphore, #tpu.memory_space<semaphore_mem>>) src(%arg8 : memref<128x256xf32, #tpu.memory_space<vmem>>) dst(%dma_wait3A_216 : memref<128x256xf32, #tpu.memory_space<hbm>>)
    return
  }
}

module attributes {stable_mosaic.version = 14 : i64} {
  func.func @_argmax_body(%arg0: i32, %arg1: memref<36x128x256xf32, #tpu.memory_space<vmem>>, %arg2: memref<1024x256xf32, #tpu.memory_space<vmem>>, %arg3: memref<1x36x128xi32, #tpu.memory_space<vmem>>, %arg4: memref<1024x256xf32, #tpu.memory_space<vmem>>) attributes {dimension_semantics = [#tpu.dimension_semantics<arbitrary>], iteration_bounds = array<i64: 8>, scalar_prefetch = 0 : i64, scratch_operands = 1 : i64, tpu.core_type = #tpu.core_type<tc>, window_params = [{transform_indices = @transform_0, window_bounds = array<i64: 36, 128, 256>}, {pipeline_mode = #tpu.pipeline_mode<synchronous>, transform_indices = @transform_1, window_bounds = array<i64: 1024, 256>}, {transform_indices = @transform_2, window_bounds = array<i64: 1, 36, 128>}]} {
    %eq3A = arith.constant 0 : i32
    %eq3A_0 = arith.cmpi eq, %arg0, %eq3A : i32
    %convert_element_type3A = arith.extui %eq3A_0 : i1 to i32
    %cond3A = arith.constant 0 : i32
    %cond3A_1 = arith.cmpi ne, %convert_element_type3A, %cond3A : i32
    scf.if %cond3A_1 {
      %get3A_13 = arith.constant 0 : index
      %get3A_14 = arith.constant 0 : index
      %get3A_15 = vector.load %arg2[%get3A_13, %get3A_14] : memref<1024x256xf32, #tpu.memory_space<vmem>>, vector<1024x256xf32>
      %mul3A = arith.mulf %get3A_15, %get3A_15 : vector<1024x256xf32>
      %reduce_sum3A = arith.constant dense<0.000000e+00> : vector<1024xf32>
      %reduce_sum3A_16 = vector.multi_reduction <add>, %mul3A, %reduce_sum3A [1] : vector<1024x256xf32> to vector<1024xf32>
      %broadcast_in_dim3A = vector.shape_cast %reduce_sum3A_16 : vector<1024xf32> to vector<1024x1xf32>
      %sqrt3A = math.sqrt %broadcast_in_dim3A : vector<1024x1xf32>
      %max3A = arith.constant 9.99999996E-13 : f32
      %max3A_17 = vector.broadcast %max3A : f32 to vector<1024x1xf32>
      %max3A_18 = arith.maximumf %sqrt3A, %max3A_17 : vector<1024x1xf32>
      %div3A = vector.broadcast %max3A_18 : vector<1024x1xf32> to vector<1024x256xf32>
      %div3A_19 = arith.divf %get3A_15, %div3A : vector<1024x256xf32>
      %swap3A_20 = arith.constant 0 : index
      %swap3A_21 = arith.constant 0 : index
      %swap3A_22 = vector.load %arg4[%swap3A_20, %swap3A_21] : memref<1024x256xf32, #tpu.memory_space<vmem>>, vector<1024x256xf32>
      tpu.vector_store %arg4[%swap3A_20, %swap3A_21], %div3A_19 {strides = array<i32>} : memref<1024x256xf32, #tpu.memory_space<vmem>>, vector<1024x256xf32>,
    } else {
    }
    %get3A = arith.constant 0 : index
    %get3A_2 = arith.constant 0 : index
    %get3A_3 = arith.constant 0 : index
    %get3A_4 = vector.load %arg1[%get3A, %get3A_2, %get3A_3] : memref<36x128x256xf32, #tpu.memory_space<vmem>>, vector<36x128x256xf32>
    %reshape3A = vector.shape_cast %get3A_4 : vector<36x128x256xf32> to vector<4608x256xf32>
    %get3A_5 = arith.constant 0 : index
    %get3A_6 = arith.constant 0 : index
    %get3A_7 = vector.load %arg4[%get3A_5, %get3A_6] : memref<1024x256xf32, #tpu.memory_space<vmem>>, vector<1024x256xf32>
    %dot_general3A = arith.constant dense<0.000000e+00> : vector<4608x1024xf32>
    %dot_general3A_8 = tpu.matmul %reshape3A, %get3A_7, %dot_general3A {dimension_numbers = #tpu.dot_dimension_numbers<[1], [1], [0], [0], [0, 0, 1, 0], [], []>, transpose_lhs_hint = false} : vector<4608x256xf32>, vector<1024x256xf32>, vector<4608x1024xf32> -> vector<4608x1024xf32>
    %argmax3A = tpu.reduce_index %dot_general3A_8 {axis = 1 : i32, kind = #tpu.reduction_kind<arg_max>} : vector<4608x1024xf32> -> vector<4608xi32>
    %reshape3A_9 = vector.shape_cast %argmax3A : vector<4608xi32> to vector<1x36x128xi32>
    %swap3A = arith.constant 0 : index
    %swap3A_10 = arith.constant 0 : index
    %swap3A_11 = arith.constant 0 : index
    %swap3A_12 = vector.load %arg3[%swap3A, %swap3A_10, %swap3A_11] : memref<1x36x128xi32, #tpu.memory_space<vmem>>, vector<1x36x128xi32>
    tpu.vector_store %arg3[%swap3A, %swap3A_10, %swap3A_11], %reshape3A_9 {strides = array<i32>} : memref<1x36x128xi32, #tpu.memory_space<vmem>>, vector<1x36x128xi32>,
    return
  }
  func.func @transform_0(%arg0: i32) -> (i32, i32, i32) {
    %c0_i32 = arith.constant 0 : i32
    %c0_i32_0 = arith.constant 0 : i32
    %c0_i32_1 = arith.constant 0 : i32
    return %c0_i32, %arg0, %c0_i32_0 : i32, i32, i32
  }
  func.func @transform_1(%arg0: i32) -> (i32, i32) {
    %c0_i32 = arith.constant 0 : i32
    %c0_i32_0 = arith.constant 0 : i32
    %c0_i32_1 = arith.constant 0 : i32
    return %c0_i32, %c0_i32_0 : i32, i32
  }
  func.func @transform_2(%arg0: i32) -> (i32, i32, i32) {
    %c0_i32 = arith.constant 0 : i32
    %c0_i32_0 = arith.constant 0 : i32
    %c0_i32_1 = arith.constant 0 : i32
    return %arg0, %c0_i32, %c0_i32_0 : i32, i32, i32
  }
}

</mosaic_0001>

<sc_bundles>
// kernel: kernel.4.cloned.1.call-start
scs
__scs_entry_jumppad:
0x0: {  	(pc) =	sbr.rel $0x88, $3  }
0x1: {  	(tag) =	ssettag $0x0;
	lr =	simm.s32 $0x1  }
0x2: {  	[smem:$0x3F9F] =	sst lr;
	_ =	strace $0xD0000000  }
0x3: {  	_ = 	snop  }
0x4: {  	_ = 	snop  }
0x5: {  	_ = 	snop  }
0x6: {  	_ = 	snop  }
0x7: {  	_ = 	snop  }
__scs_overlays_trampoline_lowered:
0x8: {  	[smem:$0x3FAE] =	sst s0  }
0x9: {  	[smem:$0x3FAF] =	sst s1  }
0xa: {  	[smem:$0x3FB0] =	sst s2  }
0xb: {  	[smem:$0x3FB1] =	sst s3  }
0xc: {  	[smem:$0x3FB2] =	sst s4  }
0xd: {  	[smem:$0x3FB3] =	sst s5  }
0xe: {  	[smem:$0x3FB4] =	sst s6  }
0xf: {  	[smem:$0x3FB5] =	sst s7  }
0x10: {  	[smem:$0x3FB6] =	sst s8  }
0x11: {  	[smem:$0x3FB7] =	sst s9;
	s0 =	simm.s32 @!p0 $0x0  }
0x12: {  	s1 =	sld [smem:$0x3F9D];
	s0 =	simm.s32 @p0 $0x1  }
0x13: {  	[smem:$0x3FB8] =	sst s0;
	s0 =	simm.s32 @!p1 $0x0  }
0x14: {  	s2 =	sld [smem:$0x3F9C];
	s0 =	simm.s32 @p1 $0x1  }
0x15: {  	[smem:$0x3FB9] =	sst s0;
	s0 =	simm.s32 @!p2 $0x0  }
0x16: {  	s3 =	sld [smem:$0x3FDB];
	s0 =	simm.s32 @p2 $0x1  }
0x17: {  	s4 =	simm.s32 $0x1BF5;
	[smem:$0x3FBB] =	sst s0  }
0x18: {  	s0 =	sld [smem:$0x3F9E];
	_ =	swait.ge [sflag:s4], $0x0  }
0x19: {  	s7 =	sld [smem:$0x3F9F]  }
0x1a: {  	s8 =	sadd.s32 $0xFFFFE003, lr  }
0x1b: {  	s9 =	sadd.s32 $0xFFFFFEF7, lr;
	s5 =	simm.s32 $0xFFFFFFFF;
	p2 =	slt.u32 s8, $0xFFFFF086  }
0x1c: {  	p1 =	slt.u32 s9, $0xF7A;
	s5 =	simm.s32 @!p2 $0x0  }
0x1d: {  	s5 =	simm.s32 @p1 $0x1;
	p0 =	seq.s32 s7, s2  }
0x1e: {  	s7 =	smul.u32 @!p0 $0xF7A, s2;
	p2 =	seq.s32 @!p0 s5, $0x0  }
0x1f: {  	s9 =	smul.u32 $0xF7A, s1;
	s8 =	simm.s32 @!p0 $0x1BF5;
	p2 =	por !p2, p0  }
0x20: {  	[sflag:s8] =	ssyncset.s32 @!p0 $0xFFFFF086;
	s6 =	sadd.s32 @!p0 s3, s7;
	s7 =	simm.s32 @!p0 $0x108  }
0x21: {  	s3 =	sadd.s32 s3, s9;
	s6 =	sadd.s32 @!p0 $0x88, s6;
	s7 =	simm.s32 @p2 $0x1082  }
0x22: {  	[simem:s7], [sflag:s8] =	dma.local @!p0 [hbm:s6], $0xF7A  }
0x23: {  	s9 =	sor.u32 $0xD0000000, s2;
	s6 =	simm.s32 $0x108;
	_ =	swait.ge @!p0 [sflag:s8], $0x0  }
0x24: {  	s3 =	sadd.s32 $0x88, s3;
	s6 =	simm.s32 @!p1 $0x1082;
	[sflag:s4] =	ssyncset.s32 $0xFFFFF086  }
0x25: {  	[simem:s6], [sflag:s4] =	dma.local [hbm:s3], $0xF7A  }
0x26: {  	[smem:$0x3F9F] =	sst s1;
	(tag) =	ssettag s2;
	_ =	strace s9  }
0x27: {  	s1 =	sld [smem:$0x3FAF]  }
0x28: {  	s2 =	sld [smem:$0x3FB0]  }
0x29: {  	s4 =	sld [smem:$0x3FB2]  }
0x2a: {  	p0 =	seq.s32 s5, $0x0;
	s5 =	sld [smem:$0x3FB3]  }
0x2b: {  	s6 =	sld [smem:$0x3FB4]  }
0x2c: {  	s7 =	sld [smem:$0x3FB5]  }
0x2d: {  	s3 =	simm.s32 $0x108;
	s8 =	sld [smem:$0x3FB6]  }
0x2e: {  	s3 =	simm.s32 @!p0 $0x1082;
	s9 =	sld [smem:$0x3FB7]  }
0x2f: {  	lr =	sadd.s32 s0, s3;
	s0 =	sld [smem:$0x3FAE]  }
0x30: {  	s3 =	sld [smem:$0x3FB1]  }
0x31: {  	[smem:$0x3FBA] =	sst s10  }
0x32: {  	s10 =	sld [smem:$0x3FB8];
	_ =	sdelay $0x3  }
0x33: {  	p0 =	seq.s32 s10, $0x1;
	s10 =	sld [smem:$0x3FBA];
	_ =	sdelay $0x3  }
0x34: {  	[smem:$0x3FBA] =	sst s10  }
0x35: {  	s10 =	sld [smem:$0x3FB9];
	_ =	sdelay $0x3  }
0x36: {  	p1 =	seq.s32 s10, $0x1;
	s10 =	sld [smem:$0x3FBA];
	_ =	sdelay $0x3  }
0x37: {  	[smem:$0x3FBA] =	sst s10  }
0x38: {  	s10 =	sld [smem:$0x3FBB]  }
0x39: {  	_ = 	snop;
	(pc) =	sbr.ind lr, $3  }
0x3a: {  	_ = 	snop  }
0x3b: {  	_ = 	snop  }
0x3c: {  	p2 =	seq.s32 s10, $0x1;
	s10 =	sld [smem:$0x3FBA]  }
0x3d: {  	_ =	shalt  }
0x3e: {  	_ =	shalt  }
0x3f: {  	_ =	shalt  }
0x40: {  	_ =	shalt  }
0x41: {  	_ =	shalt  }
0x42: {  	_ =	shalt  }
0x43: {  	_ =	shalt  }
0x44: {  	_ =	shalt  }
0x45: {  	_ =	shalt  }
0x46: {  	_ =	shalt  }
0x47: {  	_ =	shalt  }
0x48: {  	_ =	shalt  }
0x49: {  	_ =	shalt  }
0x4a: {  	_ =	shalt  }
0x4b: {  	_ =	shalt  }
0x4c: {  	_ =	shalt  }
0x4d: {  	_ =	shalt  }
0x4e: {  	_ =	shalt  }
0x4f: {  	_ =	shalt  }
0x50: {  	_ =	shalt  }
0x51: {  	_ =	shalt  }
0x52: {  	_ =	shalt  }
0x53: {  	_ =	shalt  }
0x54: {  	_ =	shalt  }
0x55: {  	_ =	shalt  }
0x56: {  	_ =	shalt  }
0x57: {  	_ =	shalt  }
0x58: {  	_ =	shalt  }
0x59: {  	_ =	shalt  }
0x5a: {  	_ =	shalt  }
0x5b: {  	_ =	shalt  }
0x5c: {  	_ =	shalt  }
0x5d: {  	_ =	shalt  }
0x5e: {  	_ =	shalt  }
0x5f: {  	_ =	shalt  }
0x60: {  	_ =	shalt  }
0x61: {  	_ =	shalt  }
0x62: {  	_ =	shalt  }
0x63: {  	_ =	shalt  }
0x64: {  	_ =	shalt  }
0x65: {  	_ =	shalt  }
0x66: {  	_ =	shalt  }
0x67: {  	_ =	shalt  }
0x68: {  	_ =	shalt  }
0x69: {  	_ =	shalt  }
0x6a: {  	_ =	shalt  }
0x6b: {  	_ =	shalt  }
0x6c: {  	_ =	shalt  }
0x6d: {  	_ =	shalt  }
0x6e: {  	_ =	shalt  }
0x6f: {  	_ =	shalt  }
0x70: {  	_ =	shalt  }
0x71: {  	_ =	shalt  }
0x72: {  	_ =	shalt  }
0x73: {  	_ =	shalt  }
0x74: {  	_ =	shalt  }
0x75: {  	_ =	shalt  }
0x76: {  	_ =	shalt  }
0x77: {  	_ =	shalt  }
0x78: {  	_ =	shalt  }
0x79: {  	_ =	shalt  }
0x7a: {  	_ =	shalt  }
0x7b: {  	_ =	shalt  }
0x7c: {  	_ =	shalt  }
0x7d: {  	_ =	shalt  }
0x7e: {  	_ =	shalt  }
0x7f: {  	_ =	shalt  }
0x80: {  	_ =	shalt  }
0x81: {  	_ =	shalt  }
0x82: {  	_ =	shalt  }
0x83: {  	_ =	shalt  }
0x84: {  	_ =	shalt  }
0x85: {  	_ =	shalt  }
0x86: {  	_ =	shalt  }
0x87: {  	_ =	shalt  }
.Lfunc_end0:
.L_simem_size_0:
called_computation_lowered:
.L_overlay_start_0:
0x88: {  	s2 =	sld [smem:$0x3FD9]  }
0x89: {  	s3 =	sld [smem:$0x3FFE];
	_ =	sdelay $0x1  }
0x8a: {  	s1 =	srdreg.scid  }
0x8b: {  	s0 =	sand.u32 $0x1, s1  }
0x8c: {  	s17 =	sshll.u32 s0, $0xA;
	s2 =	sadd.s32 s3, s2  }
0x8d: {  	s2 =	sadd.s32 s2, s17  }
0x8e: {  	[smem:$0x3FC6] =	sst s2  }
0x8f: {  	_ = 	snop  }
0x90: {  	s2 =	sld [smem:$0x3FC8]  }
0x91: {  	s18 =	sld [smem:$0x3FD0];
	(tm) =	ssettm $0x1  }
0x92: {  	s4 =	sld [smem:$0x3FFB];
	_ =	sdelay $0x3  }
0x93: {  	_ =	strace s4  }
0x94: {  	s4 =	sld [smem:$0x3FFC];
	_ =	sdelay $0x3  }
0x95: {  	_ =	strace s4  }
0x96: {  	s4 =	sld [smem:$0x3FFD];
	_ =	sdelay $0x3  }
0x97: {  	_ =	strace s4  }
0x98: {  	_ =	strace $0x8FFFFFFF  }
0x99: {  	s19 =	sld [smem:$0x3FDB];
	_ =	sdelay $0x1  }
0x9a: {  	s5 =	simm.s32 $_scs_section_size  }
0x9b: {  	s6 =	simm.s32 $_size__tile_overlayer_lowered;
	s7 =	simm.s32 $_tile_overlayer_lowered  }
0x9c: {  	s22 =	simm.s32 $0x1BFF;
	s21 =	sshll.u32 s7, $0x1;
	s4 =	sadd.s32 s5, s19  }
0x9d: {  	s8 =	simm.s32 $0x0;
	s20 =	sshll.u32 s6, $0x1;
	s6 =	sadd.s32 s21, s4  }
0x9e: {  	[timem:s8], [sflag:s22] =	dma.local [hbm:s6], s20  }
0x9f: {  	_ =	swait.ge [sflag:s22], s20  }
0xa0: {  	s5 =	ssub.s32 $0x0, s20;
	[sflag:s22] =	ssyncset.done $0x0  }
0xa1: {  	[sflag:s22] =	ssyncadd.s32 s5;
	_ =	sdelay $0x1  }
0xa2: {  	s23 =	simm.s32 $0x1B8B  }
0xa3: {  	_ =	swait.ge [sflag:s23], $0x1  }
0xa4: {  	[sflag:s23] =	ssyncset.done $0x0  }
0xa5: {  	s25 =	simm.s32 $0x1B8E;
	s24 =	sld [smem:$0x3FFE];
	[sflag:s23] =	ssyncadd.s32 $0xFFFFFFFF  }
0xa6: {  	s26 =	simm.s32 $execute0_lowered;
	[smem:$0x3FD2] =	sst s25  }
0xa7: {  	s6 =	sshll.u32 s26, $0x1;
	_ =	strace $0x80000046;
	[dreg:$0x1] =	wrdreg $0xFFFFFFFF  }
0xa8: {  	s28 =	simm.s32 $_size_execute0_lowered;
	s4 =	sadd.s32 s4, s6;
	[dreg:$0x0] =	wrdreg $0x0  }
0xa9: {  	s6 =	sshll.u32 s28, $0x1;
	[dreg:$0x2] =	wrdreg s4  }
0xaa: {  	[dreg:$0x3] =	wrdreg s6  }
0xab: {  	[dreg:$0x4] =	wrdreg $0xC0  }
0xac: {  	_ =	task [dreg:s8], $0x5FFFF  }
0xad: {  	[dreg:$0x1] =	wrdreg $0xFFFFFFFF  }
0xae: {  	[dreg:$0x0] =	wrdreg $0x60  }
0xaf: {  	[dreg:$0x2] =	wrdreg s2  }
0xb0: {  	[dreg:$0x3] =	wrdreg s24  }
0xb1: {  	[dreg:$0x4] =	wrdreg s18  }
0xb2: {  	[dreg:$0x5] =	wrdreg $0x9  }
0xb3: {  	_ =	task.clear_ibuf [dreg:s8], $0x6FFFF;
	_ =	strace $0x90000046  }
0xb4: {  	s29 =	simm.s32 $0x9;
	_ =	strace $0x80000048  }
0xb5: {  	_ =	swait.ge [sflag:s29], $0x1  }
0xb6: {  	[sflag:s29] =	ssyncadd.s32 $0xFFFFFFFF  }
0xb7: {  	_ =	strace $0x90000048  }
0xb8: {  	_ =	sfence  }
0xb9: {  	s30 =	sld [smem:$0x0];
	_ =	sdelay $0x2  }
0xba: {  	s31 =	sshll.u32 s1, $0xD;
	s1 =	sshrl.u32 s1, $0x2  }
0xbb: {  	s3 =	sand.u32 $0x4000, s31;
	s1 =	sadd.s32 s1, s30  }
0xbc: {  	s0 =	sor.u32 s3, s0;
	s1 =	sshll.u32 s1, $0x11  }
0xbd: {  	s0 =	sor.u32 s1, s0  }
0xbe: {  	s0 =	sadd.s32 $0x8F2B, s0  }
0xbf: {  	[sflag:s0] =	ssyncadd.remote.s32 $0x1  }
0xc0: {  	_ =	sfence.sel $0xFFFF  }
0xc1: {  	[dreg:$0x0] =	wrdreg $0xFFFFFFFF;
	(pc) =	sbr.abs _section_cstart, $3  }
0xc2: {  	[dreg:$0x1] =	wrdreg $0xFFFFFFFF  }
0xc3: {  	_ =	task.clear_ibuf [dreg:s8], $0x2FFFF;
	_ =	strace $0x9FFFFFFF  }
0xc4: {  	(tm) =	ssettm $0x7FFFFFFF  }
0xc5: {  	_ =	shalt  }
tec
execute0_lowered:
.L_overlay_start_1:
0x0: {  	(tag) =	ssettag $0x1  }
0x1: {  	s1 =	rddreg [dreg:$0x0]  }
0x2: {  	s0 =	rddreg [dreg:$0x1];
	s2 =	srdreg.scid  }
0x3: {  	s3 =	stileid.u32;
	s4 =	rddreg [dreg:$0x2]  }
0x4: {  	s30 =	simm.s32 $0x4;
	s31 =	simm.s32 $0x2;
	s8 =	simm.s32 $0x1000  }
0x5: {  	s9 =	simm.s32 $0x1800;
	s10 =	simm.s32 $0x2000;
	s12 =	simm.s32 $0x2800  }
0x6: {  	s13 =	simm.s32 $0x3000;
	s14 =	simm.s32 $0x3800;
	s15 =	simm.s32 $0x4000  }
0x7: {  	s11 =	simm.s32 $0x8800;
	s2 =	sand.u32 $0x1, s2;
	s3 =	sshll.u32 s3, $0x1  }
0x8: {  	s28 =	simm.s32 $0xA000;
	s29 =	simm.s32 $0x10800;
	s5 =	sor.u32 s2, s3  }
0x9: {  	s3 =	simm.s32 $0x0;
	s2 =	ssub.s32 $0x2, s2;
	s7 =	smul.u32 $0x48000, s5  }
0xa: {  	s6 =	sshll.u32 s5, $0x8;
	[smem:$0x7FF] =	sst s3;
	s5 =	smul.u32 $0x9000, s5  }
0xb: {  	s24 =	sshrl.u32 s2, $0x1;
	s0 =	sadd.s32 s6, s0;
	_ =	strace $0x80000047  }
0xc: {  	s2 =	ssub.s32 s2, s24;
	s0 =	sadd.s32 $0x800, s0;
	s16 =	sshrl.u32 s7, $0x3  }
0xd: {  	s17 =	sadd.s32 s4, s5;
	[dreg:$0x4] =	wrdreg s0;
	s4 =	sadd.s32 s4, s16  }
0xe: {  	s6 =	simm.s32 $0x1;
	[dreg:$0x5] =	wrdreg s17;
	s18 =	sadd.s32 $0x1000, s4  }
0xf: {  	s24 =	simm.s32 $0x8000;
	s19 =	sadd.s32 $0x2000, s4;
	[dreg:$0x6] =	wrdreg s18  }
0x10: {  	s5 =	simm.s32 $0x6;
	s20 =	sadd.s32 $0x3000, s4;
	[dreg:$0x7] =	wrdreg s19  }
0x11: {  	s0 =	simm.s32 $0x3;
	s21 =	sadd.s32 $0x4000, s4;
	[dreg:$0x8] =	wrdreg s20  }
0x12: {  	s16 =	simm.s32 $0x4800;
	s22 =	sadd.s32 $0x5000, s4;
	[dreg:$0x9] =	wrdreg s21  }
0x13: {  	s17 =	simm.s32 $0x5000;
	s23 =	sadd.s32 $0x6000, s4;
	[dreg:$0xa] =	wrdreg s22  }
0x14: {  	s25 =	sadd.s32 $0x7000, s4;
	s26 =	sadd.s32 $0x8000, s4;
	[dreg:$0xb] =	wrdreg s23  }
0x15: {  	s4 =	smax.u32 s2, $0x1;
	s2 =	simm.s32 $0x5;
	[dreg:$0xc] =	wrdreg s25  }
0x16: {  	v2 =	vlaneseq.u32;
	[dreg:$0xd] =	wrdreg s26;
	s22 =	simm.s32 $0x800;
	s18 =	simm.s32 $0x5800  }
0x17: {  	vm0 =	vmmov $0xffff;
	v1 =	vshrl.u32 v2, $0x3;
	s19 =	simm.s32 $0x6000;
	s20 =	simm.s32 $0x6800;
	s21 =	simm.s32 $0x7000  }
0x18: {  	v0 =	vand.u32 $0x7, v2;
	v2 =	vor.u32 $0x8, v2;
	v1 =	vmul.u32 $0x8, v1;
	s23 =	simm.s32 $0x7800;
	s25 =	simm.s32 $0x9000;
	s26 =	simm.s32 $0x9800  }
.LBB2_1:
0x19: {  	s7 =	rddreg [dreg:$0x4]  }
0x1a: {  	[tilespmem:s3], [sflag:$0x7] =	stream.linear.gather [hbm4b:s7+s3], $0x480, $0x38;
	[tilespmem:$0x18800] =	vst v63  }
0x1b: {  	s7 =	simm.s32 $0x7  }
0x1c: {  	_ =	swait.ge [sflag:s7], $0x480  }
0x1d: {  	[sflag:s7] =	ssyncset.done $0x0  }
0x1e: {  	[sflag:s7] =	ssyncadd.s32 $0xFFFFFB80  }
0x1f: {  	v3 =	vld [tilespmem:$0x0];
	_ =	sdelay $0x4  }
0x20: {  	v4 =	vshll.u32 v3, $0x1  }
0x21: {  	v3 =	vand.u32 $0x7, v3;
	v4 =	vand.u32 $0xFFFFFFF0, v4  }
0x22: {  	v3 =	vor.u32 v3, v4  }
0x23: {  	v4 =	vperm.xlane v3, v0;
	_ =	sdelay $0x1  }
0x24: {  	v3 =	vperm.xlane v3, v2;
	v4 =	vadd.s32 v1, v4;
	_ =	sdelay $0x1  }
0x25: {  	v3 =	vadd.s32 v1, v3;
	_ =	sdelay $0x2  }
0x26: {  	[tilespmem:s22], [sflag:$0x1] =	stream.indirect_vreg.gather [hbm4b:s1+s3], $0x80, v4, vm0, $0xb8;
	[tilespmem:$0x18800] =	vst v63  }
0x27: {  	_ = 	snop  }
0x28: {  	[tilespmem:s8], [sflag:$0x1] =	stream.indirect_vreg.gather [hbm4b:s1+s3], $0x80, v3, vm0, $0xb8;
	[tilespmem:$0x18800] =	vst v63  }
0x29: {  	v3 =	vld [tilespmem:$0x10];
	_ =	sdelay $0x4  }
0x2a: {  	v49 =	vshll.u32 v3, $0x1  }
0x2b: {  	v3 =	vand.u32 $0x7, v3;
	v4 =	vand.u32 $0xFFFFFFF0, v49  }
0x2c: {  	v3 =	vor.u32 v3, v4  }
0x2d: {  	v4 =	vperm.xlane v3, v0;
	_ =	sdelay $0x1  }
0x2e: {  	v3 =	vperm.xlane v3, v2;
	v4 =	vadd.s32 v1, v4;
	_ =	sdelay $0x1  }
0x2f: {  	v3 =	vadd.s32 v1, v3;
	_ =	sdelay $0x2  }
0x30: {  	[tilespmem:s9], [sflag:$0x1] =	stream.indirect_vreg.gather [hbm4b:s1+s3], $0x80, v4, vm0, $0xb8;
	[tilespmem:$0x18800] =	vst v63  }
0x31: {  	_ = 	snop  }
0x32: {  	[tilespmem:s10], [sflag:$0x1] =	stream.indirect_vreg.gather [hbm4b:s1+s3], $0x80, v3, vm0, $0xb8;
	[tilespmem:$0x18800] =	vst v63  }
0x33: {  	v3 =	vld [tilespmem:$0x20];
	_ =	sdelay $0x4  }
0x34: {  	v50 =	vshll.u32 v3, $0x1  }
0x35: {  	v3 =	vand.u32 $0x7, v3;
	v4 =	vand.u32 $0xFFFFFFF0, v50  }
0x36: {  	v3 =	vor.u32 v3, v4  }
0x37: {  	v4 =	vperm.xlane v3, v0;
	_ =	sdelay $0x1  }
0x38: {  	v3 =	vperm.xlane v3, v2;
	v4 =	vadd.s32 v1, v4;
	_ =	sdelay $0x1  }
0x39: {  	v3 =	vadd.s32 v1, v3;
	_ =	sdelay $0x2  }
0x3a: {  	[tilespmem:s12], [sflag:$0x1] =	stream.indirect_vreg.gather [hbm4b:s1+s3], $0x80, v4, vm0, $0xb8;
	[tilespmem:$0x18800] =	vst v63  }
0x3b: {  	_ = 	snop  }
0x3c: {  	[tilespmem:s13], [sflag:$0x1] =	stream.indirect_vreg.gather [hbm4b:s1+s3], $0x80, v3, vm0, $0xb8;
	[tilespmem:$0x18800] =	vst v63  }
0x3d: {  	v3 =	vld [tilespmem:$0x30];
	_ =	sdelay $0x4  }
0x3e: {  	v51 =	vshll.u32 v3, $0x1  }
0x3f: {  	v3 =	vand.u32 $0x7, v3;
	v4 =	vand.u32 $0xFFFFFFF0, v51  }
0x40: {  	v3 =	vor.u32 v3, v4  }
0x41: {  	v4 =	vperm.xlane v3, v0;
	_ =	sdelay $0x1  }
0x42: {  	v3 =	vperm.xlane v3, v2;
	v4 =	vadd.s32 v1, v4;
	_ =	sdelay $0x1  }
0x43: {  	v3 =	vadd.s32 v1, v3;
	_ =	sdelay $0x2  }
0x44: {  	[tilespmem:s14], [sflag:$0x1] =	stream.indirect_vreg.gather [hbm4b:s1+s3], $0x80, v4, vm0, $0xb8;
	[tilespmem:$0x18800] =	vst v63  }
0x45: {  	_ = 	snop  }
0x46: {  	[tilespmem:s15], [sflag:$0x1] =	stream.indirect_vreg.gather [hbm4b:s1+s3], $0x80, v3, vm0, $0xb8;
	[tilespmem:$0x18800] =	vst v63  }
0x47: {  	v3 =	vld [tilespmem:$0x40];
	_ =	sdelay $0x4  }
0x48: {  	v52 =	vshll.u32 v3, $0x1  }
0x49: {  	v3 =	vand.u32 $0x7, v3;
	v4 =	vand.u32 $0xFFFFFFF0, v52  }
0x4a: {  	v3 =	vor.u32 v3, v4  }
0x4b: {  	v4 =	vperm.xlane v3, v0;
	_ =	sdelay $0x1  }
0x4c: {  	v3 =	vperm.xlane v3, v2;
	v4 =	vadd.s32 v1, v4;
	_ =	sdelay $0x1  }
0x4d: {  	v3 =	vadd.s32 v1, v3;
	_ =	sdelay $0x2  }
0x4e: {  	[tilespmem:s16], [sflag:$0x1] =	stream.indirect_vreg.gather [hbm4b:s1+s3], $0x80, v4, vm0, $0xb8;
	[tilespmem:$0x18800] =	vst v63  }
0x4f: {  	_ = 	snop  }
0x50: {  	[tilespmem:s17], [sflag:$0x1] =	stream.indirect_vreg.gather [hbm4b:s1+s3], $0x80, v3, vm0, $0xb8;
	[tilespmem:$0x18800] =	vst v63  }
0x51: {  	v3 =	vld [tilespmem:$0x50];
	_ =	sdelay $0x4  }
0x52: {  	v53 =	vshll.u32 v3, $0x1  }
0x53: {  	v3 =	vand.u32 $0x7, v3;
	v4 =	vand.u32 $0xFFFFFFF0, v53  }
0x54: {  	v3 =	vor.u32 v3, v4  }
0x55: {  	v4 =	vperm.xlane v3, v0;
	_ =	sdelay $0x1  }
0x56: {  	v3 =	vperm.xlane v3, v2;
	v4 =	vadd.s32 v1, v4;
	_ =	sdelay $0x1  }
0x57: {  	v3 =	vadd.s32 v1, v3;
	_ =	sdelay $0x2  }
0x58: {  	[tilespmem:s18], [sflag:$0x1] =	stream.indirect_vreg.gather [hbm4b:s1+s3], $0x80, v4, vm0, $0xb8;
	[tilespmem:$0x18800] =	vst v63  }
0x59: {  	_ = 	snop  }
0x5a: {  	[tilespmem:s19], [sflag:$0x1] =	stream.indirect_vreg.gather [hbm4b:s1+s3], $0x80, v3, vm0, $0xb8;
	[tilespmem:$0x18800] =	vst v63  }
0x5b: {  	v3 =	vld [tilespmem:$0x60];
	_ =	sdelay $0x4  }
0x5c: {  	v54 =	vshll.u32 v3, $0x1  }
0x5d: {  	v3 =	vand.u32 $0x7, v3;
	v4 =	vand.u32 $0xFFFFFFF0, v54  }
0x5e: {  	v3 =	vor.u32 v3, v4  }
0x5f: {  	v4 =	vperm.xlane v3, v0;
	_ =	sdelay $0x1  }
0x60: {  	v3 =	vperm.xlane v3, v2;
	v4 =	vadd.s32 v1, v4;
	_ =	sdelay $0x1  }
0x61: {  	v3 =	vadd.s32 v1, v3;
	_ =	sdelay $0x2  }
0x62: {  	[tilespmem:s20], [sflag:$0x1] =	stream.indirect_vreg.gather [hbm4b:s1+s3], $0x80, v4, vm0, $0xb8;
	[tilespmem:$0x18800] =	vst v63  }
0x63: {  	_ = 	snop  }
0x64: {  	[tilespmem:s21], [sflag:$0x1] =	stream.indirect_vreg.gather [hbm4b:s1+s3], $0x80, v3, vm0, $0xb8;
	[tilespmem:$0x18800] =	vst v63  }
0x65: {  	v3 =	vld [tilespmem:$0x70];
	_ =	sdelay $0x4  }
0x66: {  	v55 =	vshll.u32 v3, $0x1  }
0x67: {  	v3 =	vand.u32 $0x7, v3;
	v4 =	vand.u32 $0xFFFFFFF0, v55  }
0x68: {  	v3 =	vor.u32 v3, v4  }
0x69: {  	v4 =	vperm.xlane v3, v0;
	_ =	sdelay $0x1  }
0x6a: {  	v3 =	vperm.xlane v3, v2;
	v4 =	vadd.s32 v1, v4;
	_ =	sdelay $0x1  }
0x6b: {  	v3 =	vadd.s32 v1, v3;
	_ =	sdelay $0x2  }
0x6c: {  	[tilespmem:s23], [sflag:$0x1] =	stream.indirect_vreg.gather [hbm4b:s1+s3], $0x80, v4, vm0, $0xb8;
	[tilespmem:$0x18800] =	vst v63  }
0x6d: {  	_ = 	snop  }
0x6e: {  	[tilespmem:s24], [sflag:$0x1] =	stream.indirect_vreg.gather [hbm4b:s1+s3], $0x80, v3, vm0, $0xb8;
	[tilespmem:$0x18800] =	vst v63  }
0x6f: {  	v3 =	vld [tilespmem:$0x80];
	_ =	sdelay $0x4  }
0x70: {  	v56 =	vshll.u32 v3, $0x1  }
0x71: {  	v3 =	vand.u32 $0x7, v3;
	v4 =	vand.u32 $0xFFFFFFF0, v56  }
0x72: {  	v3 =	vor.u32 v3, v4  }
0x73: {  	v4 =	vperm.xlane v3, v0;
	_ =	sdelay $0x1  }
0x74: {  	v3 =	vperm.xlane v3, v2;
	v4 =	vadd.s32 v1, v4;
	_ =	sdelay $0x1  }
0x75: {  	v3 =	vadd.s32 v1, v3;
	_ =	sdelay $0x2  }
0x76: {  	[tilespmem:s11], [sflag:$0x2] =	stream.indirect_vreg.gather [hbm4b:s1+s3], $0x80, v4, vm0, $0xb8;
	[tilespmem:$0x18800] =	vst v63  }
0x77: {  	_ = 	snop  }
0x78: {  	[tilespmem:s25], [sflag:$0x2] =	stream.indirect_vreg.gather [hbm4b:s1+s3], $0x80, v3, vm0, $0xb8;
	[tilespmem:$0x18800] =	vst v63  }
0x79: {  	v3 =	vld [tilespmem:$0x90];
	_ =	sdelay $0x4  }
0x7a: {  	v57 =	vshll.u32 v3, $0x1  }
0x7b: {  	v3 =	vand.u32 $0x7, v3;
	v4 =	vand.u32 $0xFFFFFFF0, v57  }
0x7c: {  	v3 =	vor.u32 v3, v4  }
0x7d: {  	v4 =	vperm.xlane v3, v0;
	_ =	sdelay $0x1  }
0x7e: {  	v3 =	vperm.xlane v3, v2;
	v4 =	vadd.s32 v1, v4;
	_ =	sdelay $0x1  }
0x7f: {  	v3 =	vadd.s32 v1, v3;
	_ =	sdelay $0x2  }
0x80: {  	[tilespmem:s26], [sflag:$0x2] =	stream.indirect_vreg.gather [hbm4b:s1+s3], $0x80, v4, vm0, $0xb8;
	[tilespmem:$0x18800] =	vst v63  }
0x81: {  	_ = 	snop  }
0x82: {  	[tilespmem:s28], [sflag:$0x2] =	stream.indirect_vreg.gather [hbm4b:s1+s3], $0x80, v3, vm0, $0xb8;
	[tilespmem:$0x18800] =	vst v63  }
0x83: {  	v3 =	vld [tilespmem:$0xA0];
	_ =	sdelay $0x4  }
0x84: {  	v58 =	vshll.u32 v3, $0x1  }
0x85: {  	v3 =	vand.u32 $0x7, v3;
	v4 =	vand.u32 $0xFFFFFFF0, v58  }
0x86: {  	v3 =	vor.u32 v3, v4  }
0x87: {  	v4 =	vperm.xlane v3, v0;
	_ =	sdelay $0x1  }
0x88: {  	v3 =	vperm.xlane v3, v2;
	v4 =	vadd.s32 v1, v4;
	_ =	sdelay $0x1  }
0x89: {  	v3 =	vadd.s32 v1, v3;
	_ =	sdelay $0x1  }
0x8a: {  	s7 =	simm.s32 $0xA800  }
0x8b: {  	[tilespmem:s7], [sflag:$0x2] =	stream.indirect_vreg.gather [hbm4b:s1+s3], $0x80, v4, vm0, $0xb8;
	[tilespmem:$0x18800] =	vst v63  }
0x8c: {  	s7 =	simm.s32 $0xB000  }
0x8d: {  	[tilespmem:s7], [sflag:$0x2] =	stream.indirect_vreg.gather [hbm4b:s1+s3], $0x80, v3, vm0, $0xb8;
	[tilespmem:$0x18800] =	vst v63  }
0x8e: {  	v3 =	vld [tilespmem:$0xB0];
	_ =	sdelay $0x4  }
0x8f: {  	v59 =	vshll.u32 v3, $0x1  }
0x90: {  	v3 =	vand.u32 $0x7, v3;
	v4 =	vand.u32 $0xFFFFFFF0, v59  }
0x91: {  	v3 =	vor.u32 v3, v4  }
0x92: {  	v4 =	vperm.xlane v3, v0;
	_ =	sdelay $0x1  }
0x93: {  	v3 =	vperm.xlane v3, v2;
	v4 =	vadd.s32 v1, v4;
	_ =	sdelay $0x1  }
0x94: {  	v3 =	vadd.s32 v1, v3;
	_ =	sdelay $0x1  }
0x95: {  	s7 =	simm.s32 $0xB800  }
0x96: {  	[tilespmem:s7], [sflag:$0x2] =	stream.indirect_vreg.gather [hbm4b:s1+s3], $0x80, v4, vm0, $0xb8;
	[tilespmem:$0x18800] =	vst v63  }
0x97: {  	s7 =	simm.s32 $0xC000  }
0x98: {  	[tilespmem:s7], [sflag:$0x2] =	stream.indirect_vreg.gather [hbm4b:s1+s3], $0x80, v3, vm0, $0xb8;
	[tilespmem:$0x18800] =	vst v63  }
0x99: {  	v3 =	vld [tilespmem:$0xC0];
	_ =	sdelay $0x4  }
0x9a: {  	v60 =	vshll.u32 v3, $0x1  }
0x9b: {  	v3 =	vand.u32 $0x7, v3;
	v4 =	vand.u32 $0xFFFFFFF0, v60  }
0x9c: {  	v3 =	vor.u32 v3, v4  }
0x9d: {  	v4 =	vperm.xlane v3, v0;
	_ =	sdelay $0x1  }
0x9e: {  	v3 =	vperm.xlane v3, v2;
	v4 =	vadd.s32 v1, v4;
	_ =	sdelay $0x1  }
0x9f: {  	v3 =	vadd.s32 v1, v3;
	_ =	sdelay $0x1  }
0xa0: {  	s7 =	simm.s32 $0xC800  }
0xa1: {  	[tilespmem:s7], [sflag:$0x2] =	stream.indirect_vreg.gather [hbm4b:s1+s3], $0x80, v4, vm0, $0xb8;
	[tilespmem:$0x18800] =	vst v63  }
0xa2: {  	s7 =	simm.s32 $0xD000  }
0xa3: {  	[tilespmem:s7], [sflag:$0x2] =	stream.indirect_vreg.gather [hbm4b:s1+s3], $0x80, v3, vm0, $0xb8;
	[tilespmem:$0x18800] =	vst v63  }
0xa4: {  	v3 =	vld [tilespmem:$0xD0];
	_ =	sdelay $0x4  }
0xa5: {  	v61 =	vshll.u32 v3, $0x1  }
0xa6: {  	v3 =	vand.u32 $0x7, v3;
	v4 =	vand.u32 $0xFFFFFFF0, v61  }
0xa7: {  	v3 =	vor.u32 v3, v4  }
0xa8: {  	v4 =	vperm.xlane v3, v0;
	_ =	sdelay $0x1  }
0xa9: {  	v3 =	vperm.xlane v3, v2;
	v4 =	vadd.s32 v1, v4;
	_ =	sdelay $0x1  }
0xaa: {  	v3 =	vadd.s32 v1, v3;
	_ =	sdelay $0x1  }
0xab: {  	s7 =	simm.s32 $0xD800  }
0xac: {  	[tilespmem:s7], [sflag:$0x2] =	stream.indirect_vreg.gather [hbm4b:s1+s3], $0x80, v4, vm0, $0xb8;
	[tilespmem:$0x18800] =	vst v63  }
0xad: {  	s7 =	simm.s32 $0xE000  }
0xae: {  	[tilespmem:s7], [sflag:$0x2] =	stream.indirect_vreg.gather [hbm4b:s1+s3], $0x80, v3, vm0, $0xb8;
	[tilespmem:$0x18800] =	vst v63  }
0xaf: {  	v3 =	vld [tilespmem:$0xE0];
	_ =	sdelay $0x4  }
0xb0: {  	v62 =	vshll.u32 v3, $0x1  }
0xb1: {  	v3 =	vand.u32 $0x7, v3;
	v4 =	vand.u32 $0xFFFFFFF0, v62  }
0xb2: {  	v3 =	vor.u32 v3, v4  }
0xb3: {  	v4 =	vperm.xlane v3, v0;
	_ =	sdelay $0x1  }
0xb4: {  	v3 =	vperm.xlane v3, v2;
	v4 =	vadd.s32 v1, v4;
	_ =	sdelay $0x1  }
0xb5: {  	v3 =	vadd.s32 v1, v3;
	_ =	sdelay $0x1  }
0xb6: {  	s7 =	simm.s32 $0xE800  }
0xb7: {  	[tilespmem:s7], [sflag:$0x2] =	stream.indirect_vreg.gather [hbm4b:s1+s3], $0x80, v4, vm0, $0xb8;
	[tilespmem:$0x18800] =	vst v63  }
0xb8: {  	s7 =	simm.s32 $0xF000  }
0xb9: {  	[tilespmem:s7], [sflag:$0x2] =	stream.indirect_vreg.gather [hbm4b:s1+s3], $0x80, v3, vm0, $0xb8;
	[tilespmem:$0x18800] =	vst v63  }
0xba: {  	v3 =	vld [tilespmem:$0xF0];
	_ =	sdelay $0x4  }
0xbb: {  	v63 =	vshll.u32 v3, $0x1  }
0xbc: {  	v3 =	vand.u32 $0x7, v3;
	v4 =	vand.u32 $0xFFFFFFF0, v63  }
0xbd: {  	v3 =	vor.u32 v3, v4  }
0xbe: {  	v4 =	vperm.xlane v3, v0;
	_ =	sdelay $0x1  }
0xbf: {  	v3 =	vperm.xlane v3, v2;
	v4 =	vadd.s32 v1, v4;
	_ =	sdelay $0x1  }
0xc0: {  	v3 =	vadd.s32 v1, v3;
	_ =	sdelay $0x1  }
0xc1: {  	s7 =	simm.s32 $0xF800  }
0xc2: {  	[tilespmem:s7], [sflag:$0x2] =	stream.indirect_vreg.gather [hbm4b:s1+s3], $0x80, v4, vm0, $0xb8;
	[tilespmem:$0x18800] =	vst v63  }
0xc3: {  	s7 =	simm.s32 $0x10000  }
0xc4: {  	[tilespmem:s7], [sflag:$0x2] =	stream.indirect_vreg.gather [hbm4b:s1+s3], $0x80, v3, vm0, $0xb8;
	[tilespmem:$0x18800] =	vst v63  }
0xc5: {  	v3 =	vld [tilespmem:$0x100];
	_ =	sdelay $0x4  }
0xc6: {  	v8 =	vshll.u32 v3, $0x1  }
0xc7: {  	v3 =	vand.u32 $0x7, v3;
	v4 =	vand.u32 $0xFFFFFFF0, v8  }
0xc8: {  	v3 =	vor.u32 v3, v4  }
0xc9: {  	v4 =	vperm.xlane v3, v0;
	_ =	sdelay $0x1  }
0xca: {  	v3 =	vperm.xlane v3, v2;
	v4 =	vadd.s32 v1, v4;
	_ =	sdelay $0x1  }
0xcb: {  	v3 =	vadd.s32 v1, v3;
	_ =	sdelay $0x2  }
0xcc: {  	[tilespmem:s29], [sflag:$0x3] =	stream.indirect_vreg.gather [hbm4b:s1+s3], $0x80, v4, vm0, $0xb8;
	[tilespmem:$0x18800] =	vst v63  }
0xcd: {  	s7 =	simm.s32 $0x11000  }
0xce: {  	[tilespmem:s7], [sflag:$0x3] =	stream.indirect_vreg.gather [hbm4b:s1+s3], $0x80, v3, vm0, $0xb8;
	[tilespmem:$0x18800] =	vst v63  }
0xcf: {  	v3 =	vld [tilespmem:$0x110];
	_ =	sdelay $0x4  }
0xd0: {  	v9 =	vshll.u32 v3, $0x1  }
0xd1: {  	v3 =	vand.u32 $0x7, v3;
	v4 =	vand.u32 $0xFFFFFFF0, v9  }
0xd2: {  	v3 =	vor.u32 v3, v4  }
0xd3: {  	v4 =	vperm.xlane v3, v0;
	_ =	sdelay $0x1  }
0xd4: {  	v3 =	vperm.xlane v3, v2;
	v4 =	vadd.s32 v1, v4;
	_ =	sdelay $0x1  }
0xd5: {  	v3 =	vadd.s32 v1, v3;
	_ =	sdelay $0x1  }
0xd6: {  	s7 =	simm.s32 $0x11800  }
0xd7: {  	[tilespmem:s7], [sflag:$0x3] =	stream.indirect_vreg.gather [hbm4b:s1+s3], $0x80, v4, vm0, $0xb8;
	[tilespmem:$0x18800] =	vst v63  }
0xd8: {  	s7 =	simm.s32 $0x12000  }
0xd9: {  	[tilespmem:s7], [sflag:$0x3] =	stream.indirect_vreg.gather [hbm4b:s1+s3], $0x80, v3, vm0, $0xb8;
	[tilespmem:$0x18800] =	vst v63  }
0xda: {  	v3 =	vld [tilespmem:$0x120];
	_ =	sdelay $0x4  }
0xdb: {  	v10 =	vshll.u32 v3, $0x1  }
0xdc: {  	v3 =	vand.u32 $0x7, v3;
	v4 =	vand.u32 $0xFFFFFFF0, v10  }
0xdd: {  	v3 =	vor.u32 v3, v4  }
0xde: {  	v4 =	vperm.xlane v3, v0;
	_ =	sdelay $0x1  }
0xdf: {  	v3 =	vperm.xlane v3, v2;
	v4 =	vadd.s32 v1, v4;
	_ =	sdelay $0x1  }
0xe0: {  	v3 =	vadd.s32 v1, v3;
	_ =	sdelay $0x1  }
0xe1: {  	s7 =	simm.s32 $0x12800  }
0xe2: {  	[tilespmem:s7], [sflag:$0x3] =	stream.indirect_vreg.gather [hbm4b:s1+s3], $0x80, v4, vm0, $0xb8;
	[tilespmem:$0x18800] =	vst v63  }
0xe3: {  	s7 =	simm.s32 $0x13000  }
0xe4: {  	[tilespmem:s7], [sflag:$0x3] =	stream.indirect_vreg.gather [hbm4b:s1+s3], $0x80, v3, vm0, $0xb8;
	[tilespmem:$0x18800] =	vst v63  }
0xe5: {  	v3 =	vld [tilespmem:$0x130];
	_ =	sdelay $0x4  }
0xe6: {  	v11 =	vshll.u32 v3, $0x1  }
0xe7: {  	v3 =	vand.u32 $0x7, v3;
	v4 =	vand.u32 $0xFFFFFFF0, v11  }
0xe8: {  	v3 =	vor.u32 v3, v4  }
0xe9: {  	v4 =	vperm.xlane v3, v0;
	_ =	sdelay $0x1  }
0xea: {  	v3 =	vperm.xlane v3, v2;
	v4 =	vadd.s32 v1, v4;
	_ =	sdelay $0x1  }
0xeb: {  	v3 =	vadd.s32 v1, v3;
	_ =	sdelay $0x1  }
0xec: {  	s7 =	simm.s32 $0x13800  }
0xed: {  	[tilespmem:s7], [sflag:$0x3] =	stream.indirect_vreg.gather [hbm4b:s1+s3], $0x80, v4, vm0, $0xb8;
	[tilespmem:$0x18800] =	vst v63  }
0xee: {  	s7 =	simm.s32 $0x14000  }
0xef: {  	[tilespmem:s7], [sflag:$0x3] =	stream.indirect_vreg.gather [hbm4b:s1+s3], $0x80, v3, vm0, $0xb8;
	[tilespmem:$0x18800] =	vst v63  }
0xf0: {  	v3 =	vld [tilespmem:$0x140];
	_ =	sdelay $0x4  }
0xf1: {  	v12 =	vshll.u32 v3, $0x1  }
0xf2: {  	v3 =	vand.u32 $0x7, v3;
	v4 =	vand.u32 $0xFFFFFFF0, v12  }
0xf3: {  	v3 =	vor.u32 v3, v4  }
0xf4: {  	v4 =	vperm.xlane v3, v0;
	_ =	sdelay $0x1  }
0xf5: {  	v3 =	vperm.xlane v3, v2;
	v4 =	vadd.s32 v1, v4;
	_ =	sdelay $0x1  }
0xf6: {  	v3 =	vadd.s32 v1, v3;
	_ =	sdelay $0x1  }
0xf7: {  	s7 =	simm.s32 $0x14800  }
0xf8: {  	[tilespmem:s7], [sflag:$0x3] =	stream.indirect_vreg.gather [hbm4b:s1+s3], $0x80, v4, vm0, $0xb8;
	[tilespmem:$0x18800] =	vst v63  }
0xf9: {  	s7 =	simm.s32 $0x15000  }
0xfa: {  	[tilespmem:s7], [sflag:$0x3] =	stream.indirect_vreg.gather [hbm4b:s1+s3], $0x80, v3, vm0, $0xb8;
	[tilespmem:$0x18800] =	vst v63  }
0xfb: {  	v3 =	vld [tilespmem:$0x150];
	_ =	sdelay $0x4  }
0xfc: {  	v13 =	vshll.u32 v3, $0x1  }
0xfd: {  	v3 =	vand.u32 $0x7, v3;
	v4 =	vand.u32 $0xFFFFFFF0, v13  }
0xfe: {  	v3 =	vor.u32 v3, v4  }
0xff: {  	v4 =	vperm.xlane v3, v0;
	_ =	sdelay $0x1  }
0x100: {  	v3 =	vperm.xlane v3, v2;
	v4 =	vadd.s32 v1, v4;
	_ =	sdelay $0x1  }
0x101: {  	v3 =	vadd.s32 v1, v3;
	_ =	sdelay $0x1  }
0x102: {  	s7 =	simm.s32 $0x15800  }
0x103: {  	[tilespmem:s7], [sflag:$0x3] =	stream.indirect_vreg.gather [hbm4b:s1+s3], $0x80, v4, vm0, $0xb8;
	[tilespmem:$0x18800] =	vst v63  }
0x104: {  	s7 =	simm.s32 $0x16000  }
0x105: {  	[tilespmem:s7], [sflag:$0x3] =	stream.indirect_vreg.gather [hbm4b:s1+s3], $0x80, v3, vm0, $0xb8;
	[tilespmem:$0x18800] =	vst v63  }
0x106: {  	v3 =	vld [tilespmem:$0x160];
	_ =	sdelay $0x4  }
0x107: {  	v14 =	vshll.u32 v3, $0x1  }
0x108: {  	v3 =	vand.u32 $0x7, v3;
	v4 =	vand.u32 $0xFFFFFFF0, v14  }
0x109: {  	v3 =	vor.u32 v3, v4  }
0x10a: {  	v4 =	vperm.xlane v3, v0;
	_ =	sdelay $0x1  }
0x10b: {  	v3 =	vperm.xlane v3, v2;
	v4 =	vadd.s32 v1, v4;
	_ =	sdelay $0x1  }
0x10c: {  	v3 =	vadd.s32 v1, v3;
	_ =	sdelay $0x1  }
0x10d: {  	s7 =	simm.s32 $0x16800  }
0x10e: {  	[tilespmem:s7], [sflag:$0x3] =	stream.indirect_vreg.gather [hbm4b:s1+s3], $0x80, v4, vm0, $0xb8;
	[tilespmem:$0x18800] =	vst v63  }
0x10f: {  	s7 =	simm.s32 $0x17000  }
0x110: {  	[tilespmem:s7], [sflag:$0x3] =	stream.indirect_vreg.gather [hbm4b:s1+s3], $0x80, v3, vm0, $0xb8;
	[tilespmem:$0x18800] =	vst v63  }
0x111: {  	v3 =	vld [tilespmem:$0x170];
	_ =	sdelay $0x4  }
0x112: {  	v15 =	vshll.u32 v3, $0x1  }
0x113: {  	v3 =	vand.u32 $0x7, v3;
	v4 =	vand.u32 $0xFFFFFFF0, v15  }
0x114: {  	v3 =	vor.u32 v3, v4  }
0x115: {  	v4 =	vperm.xlane v3, v0;
	_ =	sdelay $0x1  }
0x116: {  	v3 =	vperm.xlane v3, v2;
	v4 =	vadd.s32 v1, v4;
	_ =	sdelay $0x1  }
0x117: {  	v3 =	vadd.s32 v1, v3;
	_ =	sdelay $0x1  }
0x118: {  	s7 =	simm.s32 $0x17800  }
0x119: {  	[tilespmem:s7], [sflag:$0x3] =	stream.indirect_vreg.gather [hbm4b:s1+s3], $0x80, v4, vm0, $0xb8;
	[tilespmem:$0x18800] =	vst v63  }
0x11a: {  	s7 =	simm.s32 $0x18000  }
0x11b: {  	[tilespmem:s7], [sflag:$0x3] =	stream.indirect_vreg.gather [hbm4b:s1+s3], $0x80, v3, vm0, $0xb8;
	[tilespmem:$0x18800] =	vst v63  }
0x11c: {  	_ =	swait.ge [sflag:s6], $0x8000  }
0x11d: {  	[sflag:s6] =	ssyncset.done $0x0  }
0x11e: {  	s7 =	rddreg [dreg:$0x5];
	[sflag:s6] =	ssyncadd.s32 $0xFFFF8000  }
0x11f: {  	[hbm4b:s7+s3] =	stream.linear.scatter [tilespmem:s22], [sflag:$0x4], $0x8000, $0x38;
	[tilespmem:$0x18800] =	vst v63  }
0x120: {  	_ =	swait.ge [sflag:s30], $0x8000  }
0x121: {  	[sflag:s30] =	ssyncset.done $0x0  }
0x122: {  	[sflag:s30] =	ssyncadd.s32 $0xFFFF8000  }
0x123: {  	v3 =	vld [tilespmem:$0x180];
	_ =	sdelay $0x4  }
0x124: {  	v16 =	vshll.u32 v3, $0x1  }
0x125: {  	v3 =	vand.u32 $0x7, v3;
	v4 =	vand.u32 $0xFFFFFFF0, v16  }
0x126: {  	v3 =	vor.u32 v3, v4  }
0x127: {  	v4 =	vperm.xlane v3, v0;
	_ =	sdelay $0x1  }
0x128: {  	v3 =	vperm.xlane v3, v2;
	v4 =	vadd.s32 v1, v4;
	_ =	sdelay $0x1  }
0x129: {  	v3 =	vadd.s32 v1, v3;
	_ =	sdelay $0x2  }
0x12a: {  	[tilespmem:s22], [sflag:$0x1] =	stream.indirect_vreg.gather [hbm4b:s1+s3], $0x80, v4, vm0, $0xb8;
	[tilespmem:$0x18800] =	vst v63  }
0x12b: {  	_ = 	snop  }
0x12c: {  	[tilespmem:s8], [sflag:$0x1] =	stream.indirect_vreg.gather [hbm4b:s1+s3], $0x80, v3, vm0, $0xb8;
	[tilespmem:$0x18800] =	vst v63  }
0x12d: {  	v3 =	vld [tilespmem:$0x190];
	_ =	sdelay $0x4  }
0x12e: {  	v17 =	vshll.u32 v3, $0x1  }
0x12f: {  	v3 =	vand.u32 $0x7, v3;
	v4 =	vand.u32 $0xFFFFFFF0, v17  }
0x130: {  	v3 =	vor.u32 v3, v4  }
0x131: {  	v4 =	vperm.xlane v3, v0;
	_ =	sdelay $0x1  }
0x132: {  	v3 =	vperm.xlane v3, v2;
	v4 =	vadd.s32 v1, v4;
	_ =	sdelay $0x1  }
0x133: {  	v3 =	vadd.s32 v1, v3;
	_ =	sdelay $0x2  }
0x134: {  	[tilespmem:s9], [sflag:$0x1] =	stream.indirect_vreg.gather [hbm4b:s1+s3], $0x80, v4, vm0, $0xb8;
	[tilespmem:$0x18800] =	vst v63  }
0x135: {  	_ = 	snop  }
0x136: {  	[tilespmem:s10], [sflag:$0x1] =	stream.indirect_vreg.gather [hbm4b:s1+s3], $0x80, v3, vm0, $0xb8;
	[tilespmem:$0x18800] =	vst v63  }
0x137: {  	v3 =	vld [tilespmem:$0x1A0];
	_ =	sdelay $0x4  }
0x138: {  	v18 =	vshll.u32 v3, $0x1  }
0x139: {  	v3 =	vand.u32 $0x7, v3;
	v4 =	vand.u32 $0xFFFFFFF0, v18  }
0x13a: {  	v3 =	vor.u32 v3, v4  }
0x13b: {  	v4 =	vperm.xlane v3, v0;
	_ =	sdelay $0x1  }
0x13c: {  	v3 =	vperm.xlane v3, v2;
	v4 =	vadd.s32 v1, v4;
	_ =	sdelay $0x1  }
0x13d: {  	v3 =	vadd.s32 v1, v3;
	_ =	sdelay $0x2  }
0x13e: {  	[tilespmem:s12], [sflag:$0x1] =	stream.indirect_vreg.gather [hbm4b:s1+s3], $0x80, v4, vm0, $0xb8;
	[tilespmem:$0x18800] =	vst v63  }
0x13f: {  	_ = 	snop  }
0x140: {  	[tilespmem:s13], [sflag:$0x1] =	stream.indirect_vreg.gather [hbm4b:s1+s3], $0x80, v3, vm0, $0xb8;
	[tilespmem:$0x18800] =	vst v63  }
0x141: {  	v3 =	vld [tilespmem:$0x1B0];
	_ =	sdelay $0x4  }
0x142: {  	v19 =	vshll.u32 v3, $0x1  }
0x143: {  	v3 =	vand.u32 $0x7, v3;
	v4 =	vand.u32 $0xFFFFFFF0, v19  }
0x144: {  	v3 =	vor.u32 v3, v4  }
0x145: {  	v4 =	vperm.xlane v3, v0;
	_ =	sdelay $0x1  }
0x146: {  	v3 =	vperm.xlane v3, v2;
	v4 =	vadd.s32 v1, v4;
	_ =	sdelay $0x1  }
0x147: {  	v3 =	vadd.s32 v1, v3;
	_ =	sdelay $0x2  }
0x148: {  	[tilespmem:s14], [sflag:$0x1] =	stream.indirect_vreg.gather [hbm4b:s1+s3], $0x80, v4, vm0, $0xb8;
	[tilespmem:$0x18800] =	vst v63  }
0x149: {  	_ = 	snop  }
0x14a: {  	[tilespmem:s15], [sflag:$0x1] =	stream.indirect_vreg.gather [hbm4b:s1+s3], $0x80, v3, vm0, $0xb8;
	[tilespmem:$0x18800] =	vst v63  }
0x14b: {  	v3 =	vld [tilespmem:$0x1C0];
	_ =	sdelay $0x4  }
0x14c: {  	v20 =	vshll.u32 v3, $0x1  }
0x14d: {  	v3 =	vand.u32 $0x7, v3;
	v4 =	vand.u32 $0xFFFFFFF0, v20  }
0x14e: {  	v3 =	vor.u32 v3, v4  }
0x14f: {  	v4 =	vperm.xlane v3, v0;
	_ =	sdelay $0x1  }
0x150: {  	v3 =	vperm.xlane v3, v2;
	v4 =	vadd.s32 v1, v4;
	_ =	sdelay $0x1  }
0x151: {  	v3 =	vadd.s32 v1, v3;
	_ =	sdelay $0x2  }
0x152: {  	[tilespmem:s16], [sflag:$0x1] =	stream.indirect_vreg.gather [hbm4b:s1+s3], $0x80, v4, vm0, $0xb8;
	[tilespmem:$0x18800] =	vst v63  }
0x153: {  	_ = 	snop  }
0x154: {  	[tilespmem:s17], [sflag:$0x1] =	stream.indirect_vreg.gather [hbm4b:s1+s3], $0x80, v3, vm0, $0xb8;
	[tilespmem:$0x18800] =	vst v63  }
0x155: {  	v3 =	vld [tilespmem:$0x1D0];
	_ =	sdelay $0x4  }
0x156: {  	v21 =	vshll.u32 v3, $0x1  }
0x157: {  	v3 =	vand.u32 $0x7, v3;
	v4 =	vand.u32 $0xFFFFFFF0, v21  }
0x158: {  	v3 =	vor.u32 v3, v4  }
0x159: {  	v4 =	vperm.xlane v3, v0;
	_ =	sdelay $0x1  }
0x15a: {  	v3 =	vperm.xlane v3, v2;
	v4 =	vadd.s32 v1, v4;
	_ =	sdelay $0x1  }
0x15b: {  	v3 =	vadd.s32 v1, v3;
	_ =	sdelay $0x2  }
0x15c: {  	[tilespmem:s18], [sflag:$0x1] =	stream.indirect_vreg.gather [hbm4b:s1+s3], $0x80, v4, vm0, $0xb8;
	[tilespmem:$0x18800] =	vst v63  }
0x15d: {  	_ = 	snop  }
0x15e: {  	[tilespmem:s19], [sflag:$0x1] =	stream.indirect_vreg.gather [hbm4b:s1+s3], $0x80, v3, vm0, $0xb8;
	[tilespmem:$0x18800] =	vst v63  }
0x15f: {  	v3 =	vld [tilespmem:$0x1E0];
	_ =	sdelay $0x4  }
0x160: {  	v22 =	vshll.u32 v3, $0x1  }
0x161: {  	v3 =	vand.u32 $0x7, v3;
	v4 =	vand.u32 $0xFFFFFFF0, v22  }
0x162: {  	v3 =	vor.u32 v3, v4  }
0x163: {  	v4 =	vperm.xlane v3, v0;
	_ =	sdelay $0x1  }
0x164: {  	v3 =	vperm.xlane v3, v2;
	v4 =	vadd.s32 v1, v4;
	_ =	sdelay $0x1  }
0x165: {  	v3 =	vadd.s32 v1, v3;
	_ =	sdelay $0x2  }
0x166: {  	[tilespmem:s20], [sflag:$0x1] =	stream.indirect_vreg.gather [hbm4b:s1+s3], $0x80, v4, vm0, $0xb8;
	[tilespmem:$0x18800] =	vst v63  }
0x167: {  	_ = 	snop  }
0x168: {  	[tilespmem:s21], [sflag:$0x1] =	stream.indirect_vreg.gather [hbm4b:s1+s3], $0x80, v3, vm0, $0xb8;
	[tilespmem:$0x18800] =	vst v63  }
0x169: {  	v3 =	vld [tilespmem:$0x1F0];
	_ =	sdelay $0x4  }
0x16a: {  	v23 =	vshll.u32 v3, $0x1  }
0x16b: {  	v3 =	vand.u32 $0x7, v3;
	v4 =	vand.u32 $0xFFFFFFF0, v23  }
0x16c: {  	v3 =	vor.u32 v3, v4  }
0x16d: {  	v4 =	vperm.xlane v3, v0;
	_ =	sdelay $0x1  }
0x16e: {  	v3 =	vperm.xlane v3, v2;
	v4 =	vadd.s32 v1, v4;
	_ =	sdelay $0x1  }
0x16f: {  	v3 =	vadd.s32 v1, v3;
	_ =	sdelay $0x2  }
0x170: {  	[tilespmem:s23], [sflag:$0x1] =	stream.indirect_vreg.gather [hbm4b:s1+s3], $0x80, v4, vm0, $0xb8;
	[tilespmem:$0x18800] =	vst v63  }
0x171: {  	_ = 	snop  }
0x172: {  	[tilespmem:s24], [sflag:$0x1] =	stream.indirect_vreg.gather [hbm4b:s1+s3], $0x80, v3, vm0, $0xb8;
	[tilespmem:$0x18800] =	vst v63  }
0x173: {  	_ =	swait.ge [sflag:s31], $0x8000  }
0x174: {  	[sflag:s31] =	ssyncset.done $0x0  }
0x175: {  	s7 =	rddreg [dreg:$0x6];
	[sflag:s31] =	ssyncadd.s32 $0xFFFF8000  }
0x176: {  	[hbm4b:s7+s3] =	stream.linear.scatter [tilespmem:s11], [sflag:$0x5], $0x8000, $0x38;
	[tilespmem:$0x18800] =	vst v63  }
0x177: {  	_ =	swait.ge [sflag:s2], $0x8000  }
0x178: {  	[sflag:s2] =	ssyncset.done $0x0  }
0x179: {  	[sflag:s2] =	ssyncadd.s32 $0xFFFF8000  }
0x17a: {  	v3 =	vld [tilespmem:$0x200];
	_ =	sdelay $0x4  }
0x17b: {  	v24 =	vshll.u32 v3, $0x1  }
0x17c: {  	v3 =	vand.u32 $0x7, v3;
	v4 =	vand.u32 $0xFFFFFFF0, v24  }
0x17d: {  	v3 =	vor.u32 v3, v4  }
0x17e: {  	v4 =	vperm.xlane v3, v0;
	_ =	sdelay $0x1  }
0x17f: {  	v3 =	vperm.xlane v3, v2;
	v4 =	vadd.s32 v1, v4;
	_ =	sdelay $0x1  }
0x180: {  	v3 =	vadd.s32 v1, v3;
	_ =	sdelay $0x2  }
0x181: {  	[tilespmem:s11], [sflag:$0x2] =	stream.indirect_vreg.gather [hbm4b:s1+s3], $0x80, v4, vm0, $0xb8;
	[tilespmem:$0x18800] =	vst v63  }
0x182: {  	_ = 	snop  }
0x183: {  	[tilespmem:s25], [sflag:$0x2] =	stream.indirect_vreg.gather [hbm4b:s1+s3], $0x80, v3, vm0, $0xb8;
	[tilespmem:$0x18800] =	vst v63  }
0x184: {  	v3 =	vld [tilespmem:$0x210];
	_ =	sdelay $0x4  }
0x185: {  	v25 =	vshll.u32 v3, $0x1  }
0x186: {  	v3 =	vand.u32 $0x7, v3;
	v4 =	vand.u32 $0xFFFFFFF0, v25  }
0x187: {  	v3 =	vor.u32 v3, v4  }
0x188: {  	v4 =	vperm.xlane v3, v0;
	_ =	sdelay $0x1  }
0x189: {  	v3 =	vperm.xlane v3, v2;
	v4 =	vadd.s32 v1, v4;
	_ =	sdelay $0x1  }
0x18a: {  	v3 =	vadd.s32 v1, v3;
	_ =	sdelay $0x2  }
0x18b: {  	[tilespmem:s26], [sflag:$0x2] =	stream.indirect_vreg.gather [hbm4b:s1+s3], $0x80, v4, vm0, $0xb8;
	[tilespmem:$0x18800] =	vst v63  }
0x18c: {  	_ = 	snop  }
0x18d: {  	[tilespmem:s28], [sflag:$0x2] =	stream.indirect_vreg.gather [hbm4b:s1+s3], $0x80, v3, vm0, $0xb8;
	[tilespmem:$0x18800] =	vst v63  }
0x18e: {  	v3 =	vld [tilespmem:$0x220];
	_ =	sdelay $0x4  }
0x18f: {  	v26 =	vshll.u32 v3, $0x1  }
0x190: {  	v3 =	vand.u32 $0x7, v3;
	v4 =	vand.u32 $0xFFFFFFF0, v26  }
0x191: {  	v3 =	vor.u32 v3, v4  }
0x192: {  	v4 =	vperm.xlane v3, v0;
	_ =	sdelay $0x1  }
0x193: {  	v3 =	vperm.xlane v3, v2;
	v4 =	vadd.s32 v1, v4;
	_ =	sdelay $0x1  }
0x194: {  	v3 =	vadd.s32 v1, v3;
	_ =	sdelay $0x1  }
0x195: {  	s7 =	simm.s32 $0xA800  }
0x196: {  	[tilespmem:s7], [sflag:$0x2] =	stream.indirect_vreg.gather [hbm4b:s1+s3], $0x80, v4, vm0, $0xb8;
	[tilespmem:$0x18800] =	vst v63  }
0x197: {  	s7 =	simm.s32 $0xB000  }
0x198: {  	[tilespmem:s7], [sflag:$0x2] =	stream.indirect_vreg.gather [hbm4b:s1+s3], $0x80, v3, vm0, $0xb8;
	[tilespmem:$0x18800] =	vst v63  }
0x199: {  	v3 =	vld [tilespmem:$0x230];
	_ =	sdelay $0x4  }
0x19a: {  	v27 =	vshll.u32 v3, $0x1  }
0x19b: {  	v3 =	vand.u32 $0x7, v3;
	v4 =	vand.u32 $0xFFFFFFF0, v27  }
0x19c: {  	v3 =	vor.u32 v3, v4  }
0x19d: {  	v4 =	vperm.xlane v3, v0;
	_ =	sdelay $0x1  }
0x19e: {  	v3 =	vperm.xlane v3, v2;
	v4 =	vadd.s32 v1, v4;
	_ =	sdelay $0x1  }
0x19f: {  	v3 =	vadd.s32 v1, v3;
	_ =	sdelay $0x1  }
0x1a0: {  	s7 =	simm.s32 $0xB800  }
0x1a1: {  	[tilespmem:s7], [sflag:$0x2] =	stream.indirect_vreg.gather [hbm4b:s1+s3], $0x80, v4, vm0, $0xb8;
	[tilespmem:$0x18800] =	vst v63  }
0x1a2: {  	s7 =	simm.s32 $0xC000  }
0x1a3: {  	[tilespmem:s7], [sflag:$0x2] =	stream.indirect_vreg.gather [hbm4b:s1+s3], $0x80, v3, vm0, $0xb8;
	[tilespmem:$0x18800] =	vst v63  }
0x1a4: {  	v3 =	vld [tilespmem:$0x240];
	_ =	sdelay $0x4  }
0x1a5: {  	v28 =	vshll.u32 v3, $0x1  }
0x1a6: {  	v3 =	vand.u32 $0x7, v3;
	v4 =	vand.u32 $0xFFFFFFF0, v28  }
0x1a7: {  	v3 =	vor.u32 v3, v4  }
0x1a8: {  	v4 =	vperm.xlane v3, v0;
	_ =	sdelay $0x1  }
0x1a9: {  	v3 =	vperm.xlane v3, v2;
	v4 =	vadd.s32 v1, v4;
	_ =	sdelay $0x1  }
0x1aa: {  	v3 =	vadd.s32 v1, v3;
	_ =	sdelay $0x1  }
0x1ab: {  	s7 =	simm.s32 $0xC800  }
0x1ac: {  	[tilespmem:s7], [sflag:$0x2] =	stream.indirect_vreg.gather [hbm4b:s1+s3], $0x80, v4, vm0, $0xb8;
	[tilespmem:$0x18800] =	vst v63  }
0x1ad: {  	s7 =	simm.s32 $0xD000  }
0x1ae: {  	[tilespmem:s7], [sflag:$0x2] =	stream.indirect_vreg.gather [hbm4b:s1+s3], $0x80, v3, vm0, $0xb8;
	[tilespmem:$0x18800] =	vst v63  }
0x1af: {  	v3 =	vld [tilespmem:$0x250];
	_ =	sdelay $0x4  }
0x1b0: {  	v29 =	vshll.u32 v3, $0x1  }
0x1b1: {  	v3 =	vand.u32 $0x7, v3;
	v4 =	vand.u32 $0xFFFFFFF0, v29  }
0x1b2: {  	v3 =	vor.u32 v3, v4  }
0x1b3: {  	v4 =	vperm.xlane v3, v0;
	_ =	sdelay $0x1  }
0x1b4: {  	v3 =	vperm.xlane v3, v2;
	v4 =	vadd.s32 v1, v4;
	_ =	sdelay $0x1  }
0x1b5: {  	v3 =	vadd.s32 v1, v3;
	_ =	sdelay $0x1  }
0x1b6: {  	s7 =	simm.s32 $0xD800  }
0x1b7: {  	[tilespmem:s7], [sflag:$0x2] =	stream.indirect_vreg.gather [hbm4b:s1+s3], $0x80, v4, vm0, $0xb8;
	[tilespmem:$0x18800] =	vst v63  }
0x1b8: {  	s7 =	simm.s32 $0xE000  }
0x1b9: {  	[tilespmem:s7], [sflag:$0x2] =	stream.indirect_vreg.gather [hbm4b:s1+s3], $0x80, v3, vm0, $0xb8;
	[tilespmem:$0x18800] =	vst v63  }
0x1ba: {  	v3 =	vld [tilespmem:$0x260];
	_ =	sdelay $0x4  }
0x1bb: {  	v30 =	vshll.u32 v3, $0x1  }
0x1bc: {  	v3 =	vand.u32 $0x7, v3;
	v4 =	vand.u32 $0xFFFFFFF0, v30  }
0x1bd: {  	v3 =	vor.u32 v3, v4  }
0x1be: {  	v4 =	vperm.xlane v3, v0;
	_ =	sdelay $0x1  }
0x1bf: {  	v3 =	vperm.xlane v3, v2;
	v4 =	vadd.s32 v1, v4;
	_ =	sdelay $0x1  }
0x1c0: {  	v3 =	vadd.s32 v1, v3;
	_ =	sdelay $0x1  }
0x1c1: {  	s7 =	simm.s32 $0xE800  }
0x1c2: {  	[tilespmem:s7], [sflag:$0x2] =	stream.indirect_vreg.gather [hbm4b:s1+s3], $0x80, v4, vm0, $0xb8;
	[tilespmem:$0x18800] =	vst v63  }
0x1c3: {  	s7 =	simm.s32 $0xF000  }
0x1c4: {  	[tilespmem:s7], [sflag:$0x2] =	stream.indirect_vreg.gather [hbm4b:s1+s3], $0x80, v3, vm0, $0xb8;
	[tilespmem:$0x18800] =	vst v63  }
0x1c5: {  	v3 =	vld [tilespmem:$0x270];
	_ =	sdelay $0x4  }
0x1c6: {  	v31 =	vshll.u32 v3, $0x1  }
0x1c7: {  	v3 =	vand.u32 $0x7, v3;
	v4 =	vand.u32 $0xFFFFFFF0, v31  }
0x1c8: {  	v3 =	vor.u32 v3, v4  }
0x1c9: {  	v4 =	vperm.xlane v3, v0;
	_ =	sdelay $0x1  }
0x1ca: {  	v3 =	vperm.xlane v3, v2;
	v4 =	vadd.s32 v1, v4;
	_ =	sdelay $0x1  }
0x1cb: {  	v3 =	vadd.s32 v1, v3;
	_ =	sdelay $0x1  }
0x1cc: {  	s7 =	simm.s32 $0xF800  }
0x1cd: {  	[tilespmem:s7], [sflag:$0x2] =	stream.indirect_vreg.gather [hbm4b:s1+s3], $0x80, v4, vm0, $0xb8;
	[tilespmem:$0x18800] =	vst v63  }
0x1ce: {  	s7 =	simm.s32 $0x10000  }
0x1cf: {  	[tilespmem:s7], [sflag:$0x2] =	stream.indirect_vreg.gather [hbm4b:s1+s3], $0x80, v3, vm0, $0xb8;
	[tilespmem:$0x18800] =	vst v63  }
0x1d0: {  	_ =	swait.ge [sflag:s0], $0x8000  }
0x1d1: {  	[sflag:s0] =	ssyncset.done $0x0  }
0x1d2: {  	s7 =	rddreg [dreg:$0x7];
	[sflag:s0] =	ssyncadd.s32 $0xFFFF8000  }
0x1d3: {  	[hbm4b:s7+s3] =	stream.linear.scatter [tilespmem:s29], [sflag:$0x6], $0x8000, $0x38;
	[tilespmem:$0x18800] =	vst v63  }
0x1d4: {  	_ =	swait.ge [sflag:s5], $0x8000  }
0x1d5: {  	[sflag:s5] =	ssyncset.done $0x0  }
0x1d6: {  	[sflag:s5] =	ssyncadd.s32 $0xFFFF8000  }
0x1d7: {  	v3 =	vld [tilespmem:$0x280];
	_ =	sdelay $0x4  }
0x1d8: {  	v32 =	vshll.u32 v3, $0x1  }
0x1d9: {  	v3 =	vand.u32 $0x7, v3;
	v4 =	vand.u32 $0xFFFFFFF0, v32  }
0x1da: {  	v3 =	vor.u32 v3, v4  }
0x1db: {  	v4 =	vperm.xlane v3, v0;
	_ =	sdelay $0x1  }
0x1dc: {  	v3 =	vperm.xlane v3, v2;
	v4 =	vadd.s32 v1, v4;
	_ =	sdelay $0x1  }
0x1dd: {  	v3 =	vadd.s32 v1, v3;
	_ =	sdelay $0x2  }
0x1de: {  	[tilespmem:s29], [sflag:$0x3] =	stream.indirect_vreg.gather [hbm4b:s1+s3], $0x80, v4, vm0, $0xb8;
	[tilespmem:$0x18800] =	vst v63  }
0x1df: {  	s7 =	simm.s32 $0x11000  }
0x1e0: {  	[tilespmem:s7], [sflag:$0x3] =	stream.indirect_vreg.gather [hbm4b:s1+s3], $0x80, v3, vm0, $0xb8;
	[tilespmem:$0x18800] =	vst v63  }
0x1e1: {  	v3 =	vld [tilespmem:$0x290];
	_ =	sdelay $0x4  }
0x1e2: {  	v33 =	vshll.u32 v3, $0x1  }
0x1e3: {  	v3 =	vand.u32 $0x7, v3;
	v4 =	vand.u32 $0xFFFFFFF0, v33  }
0x1e4: {  	v3 =	vor.u32 v3, v4  }
0x1e5: {  	v4 =	vperm.xlane v3, v0;
	_ =	sdelay $0x1  }
0x1e6: {  	v3 =	vperm.xlane v3, v2;
	v4 =	vadd.s32 v1, v4;
	_ =	sdelay $0x1  }
0x1e7: {  	v3 =	vadd.s32 v1, v3;
	_ =	sdelay $0x1  }
0x1e8: {  	s7 =	simm.s32 $0x11800  }
0x1e9: {  	[tilespmem:s7], [sflag:$0x3] =	stream.indirect_vreg.gather [hbm4b:s1+s3], $0x80, v4, vm0, $0xb8;
	[tilespmem:$0x18800] =	vst v63  }
0x1ea: {  	s7 =	simm.s32 $0x12000  }
0x1eb: {  	[tilespmem:s7], [sflag:$0x3] =	stream.indirect_vreg.gather [hbm4b:s1+s3], $0x80, v3, vm0, $0xb8;
	[tilespmem:$0x18800] =	vst v63  }
0x1ec: {  	v3 =	vld [tilespmem:$0x2A0];
	_ =	sdelay $0x4  }
0x1ed: {  	v34 =	vshll.u32 v3, $0x1  }
0x1ee: {  	v3 =	vand.u32 $0x7, v3;
	v4 =	vand.u32 $0xFFFFFFF0, v34  }
0x1ef: {  	v3 =	vor.u32 v3, v4  }
0x1f0: {  	v4 =	vperm.xlane v3, v0;
	_ =	sdelay $0x1  }
0x1f1: {  	v3 =	vperm.xlane v3, v2;
	v4 =	vadd.s32 v1, v4;
	_ =	sdelay $0x1  }
0x1f2: {  	v3 =	vadd.s32 v1, v3;
	_ =	sdelay $0x1  }
0x1f3: {  	s7 =	simm.s32 $0x12800  }
0x1f4: {  	[tilespmem:s7], [sflag:$0x3] =	stream.indirect_vreg.gather [hbm4b:s1+s3], $0x80, v4, vm0, $0xb8;
	[tilespmem:$0x18800] =	vst v63  }
0x1f5: {  	s7 =	simm.s32 $0x13000  }
0x1f6: {  	[tilespmem:s7], [sflag:$0x3] =	stream.indirect_vreg.gather [hbm4b:s1+s3], $0x80, v3, vm0, $0xb8;
	[tilespmem:$0x18800] =	vst v63  }
0x1f7: {  	v3 =	vld [tilespmem:$0x2B0];
	_ =	sdelay $0x4  }
0x1f8: {  	v35 =	vshll.u32 v3, $0x1  }
0x1f9: {  	v3 =	vand.u32 $0x7, v3;
	v4 =	vand.u32 $0xFFFFFFF0, v35  }
0x1fa: {  	v3 =	vor.u32 v3, v4  }
0x1fb: {  	v4 =	vperm.xlane v3, v0;
	_ =	sdelay $0x1  }
0x1fc: {  	v3 =	vperm.xlane v3, v2;
	v4 =	vadd.s32 v1, v4;
	_ =	sdelay $0x1  }
0x1fd: {  	v3 =	vadd.s32 v1, v3;
	_ =	sdelay $0x1  }
0x1fe: {  	s7 =	simm.s32 $0x13800  }
0x1ff: {  	[tilespmem:s7], [sflag:$0x3] =	stream.indirect_vreg.gather [hbm4b:s1+s3], $0x80, v4, vm0, $0xb8;
	[tilespmem:$0x18800] =	vst v63  }
0x200: {  	s7 =	simm.s32 $0x14000  }
0x201: {  	[tilespmem:s7], [sflag:$0x3] =	stream.indirect_vreg.gather [hbm4b:s1+s3], $0x80, v3, vm0, $0xb8;
	[tilespmem:$0x18800] =	vst v63  }
0x202: {  	v3 =	vld [tilespmem:$0x2C0];
	_ =	sdelay $0x4  }
0x203: {  	v36 =	vshll.u32 v3, $0x1  }
0x204: {  	v3 =	vand.u32 $0x7, v3;
	v4 =	vand.u32 $0xFFFFFFF0, v36  }
0x205: {  	v3 =	vor.u32 v3, v4  }
0x206: {  	v4 =	vperm.xlane v3, v0;
	_ =	sdelay $0x1  }
0x207: {  	v3 =	vperm.xlane v3, v2;
	v4 =	vadd.s32 v1, v4;
	_ =	sdelay $0x1  }
0x208: {  	v3 =	vadd.s32 v1, v3;
	_ =	sdelay $0x1  }
0x209: {  	s7 =	simm.s32 $0x14800  }
0x20a: {  	[tilespmem:s7], [sflag:$0x3] =	stream.indirect_vreg.gather [hbm4b:s1+s3], $0x80, v4, vm0, $0xb8;
	[tilespmem:$0x18800] =	vst v63  }
0x20b: {  	s7 =	simm.s32 $0x15000  }
0x20c: {  	[tilespmem:s7], [sflag:$0x3] =	stream.indirect_vreg.gather [hbm4b:s1+s3], $0x80, v3, vm0, $0xb8;
	[tilespmem:$0x18800] =	vst v63  }
0x20d: {  	v3 =	vld [tilespmem:$0x2D0];
	_ =	sdelay $0x4  }
0x20e: {  	v37 =	vshll.u32 v3, $0x1  }
0x20f: {  	v3 =	vand.u32 $0x7, v3;
	v4 =	vand.u32 $0xFFFFFFF0, v37  }
0x210: {  	v3 =	vor.u32 v3, v4  }
0x211: {  	v4 =	vperm.xlane v3, v0;
	_ =	sdelay $0x1  }
0x212: {  	v3 =	vperm.xlane v3, v2;
	v4 =	vadd.s32 v1, v4;
	_ =	sdelay $0x1  }
0x213: {  	v3 =	vadd.s32 v1, v3;
	_ =	sdelay $0x1  }
0x214: {  	s7 =	simm.s32 $0x15800  }
0x215: {  	[tilespmem:s7], [sflag:$0x3] =	stream.indirect_vreg.gather [hbm4b:s1+s3], $0x80, v4, vm0, $0xb8;
	[tilespmem:$0x18800] =	vst v63  }
0x216: {  	s7 =	simm.s32 $0x16000  }
0x217: {  	[tilespmem:s7], [sflag:$0x3] =	stream.indirect_vreg.gather [hbm4b:s1+s3], $0x80, v3, vm0, $0xb8;
	[tilespmem:$0x18800] =	vst v63  }
0x218: {  	v3 =	vld [tilespmem:$0x2E0];
	_ =	sdelay $0x4  }
0x219: {  	v38 =	vshll.u32 v3, $0x1  }
0x21a: {  	v3 =	vand.u32 $0x7, v3;
	v4 =	vand.u32 $0xFFFFFFF0, v38  }
0x21b: {  	v3 =	vor.u32 v3, v4  }
0x21c: {  	v4 =	vperm.xlane v3, v0;
	_ =	sdelay $0x1  }
0x21d: {  	v3 =	vperm.xlane v3, v2;
	v4 =	vadd.s32 v1, v4;
	_ =	sdelay $0x1  }
0x21e: {  	v3 =	vadd.s32 v1, v3;
	_ =	sdelay $0x1  }
0x21f: {  	s7 =	simm.s32 $0x16800  }
0x220: {  	[tilespmem:s7], [sflag:$0x3] =	stream.indirect_vreg.gather [hbm4b:s1+s3], $0x80, v4, vm0, $0xb8;
	[tilespmem:$0x18800] =	vst v63  }
0x221: {  	s7 =	simm.s32 $0x17000  }
0x222: {  	[tilespmem:s7], [sflag:$0x3] =	stream.indirect_vreg.gather [hbm4b:s1+s3], $0x80, v3, vm0, $0xb8;
	[tilespmem:$0x18800] =	vst v63  }
0x223: {  	v3 =	vld [tilespmem:$0x2F0];
	_ =	sdelay $0x4  }
0x224: {  	v39 =	vshll.u32 v3, $0x1  }
0x225: {  	v3 =	vand.u32 $0x7, v3;
	v4 =	vand.u32 $0xFFFFFFF0, v39  }
0x226: {  	v3 =	vor.u32 v3, v4  }
0x227: {  	v4 =	vperm.xlane v3, v0;
	_ =	sdelay $0x1  }
0x228: {  	v3 =	vperm.xlane v3, v2;
	v4 =	vadd.s32 v1, v4;
	_ =	sdelay $0x1  }
0x229: {  	v3 =	vadd.s32 v1, v3;
	_ =	sdelay $0x1  }
0x22a: {  	s7 =	simm.s32 $0x17800  }
0x22b: {  	[tilespmem:s7], [sflag:$0x3] =	stream.indirect_vreg.gather [hbm4b:s1+s3], $0x80, v4, vm0, $0xb8;
	[tilespmem:$0x18800] =	vst v63  }
0x22c: {  	s7 =	simm.s32 $0x18000  }
0x22d: {  	[tilespmem:s7], [sflag:$0x3] =	stream.indirect_vreg.gather [hbm4b:s1+s3], $0x80, v3, vm0, $0xb8;
	[tilespmem:$0x18800] =	vst v63  }
0x22e: {  	_ =	swait.ge [sflag:s6], $0x8000  }
0x22f: {  	[sflag:s6] =	ssyncset.done $0x0  }
0x230: {  	s7 =	rddreg [dreg:$0x8];
	[sflag:s6] =	ssyncadd.s32 $0xFFFF8000  }
0x231: {  	[hbm4b:s7+s3] =	stream.linear.scatter [tilespmem:s22], [sflag:$0x4], $0x8000, $0x38;
	[tilespmem:$0x18800] =	vst v63  }
0x232: {  	_ =	swait.ge [sflag:s30], $0x8000  }
0x233: {  	[sflag:s30] =	ssyncset.done $0x0  }
0x234: {  	[sflag:s30] =	ssyncadd.s32 $0xFFFF8000  }
0x235: {  	v3 =	vld [tilespmem:$0x300];
	_ =	sdelay $0x4  }
0x236: {  	v40 =	vshll.u32 v3, $0x1  }
0x237: {  	v3 =	vand.u32 $0x7, v3;
	v4 =	vand.u32 $0xFFFFFFF0, v40  }
0x238: {  	v3 =	vor.u32 v3, v4  }
0x239: {  	v4 =	vperm.xlane v3, v0;
	_ =	sdelay $0x1  }
0x23a: {  	v3 =	vperm.xlane v3, v2;
	v4 =	vadd.s32 v1, v4;
	_ =	sdelay $0x1  }
0x23b: {  	v3 =	vadd.s32 v1, v3;
	_ =	sdelay $0x2  }
0x23c: {  	[tilespmem:s22], [sflag:$0x1] =	stream.indirect_vreg.gather [hbm4b:s1+s3], $0x80, v4, vm0, $0xb8;
	[tilespmem:$0x18800] =	vst v63  }
0x23d: {  	_ = 	snop  }
0x23e: {  	[tilespmem:s8], [sflag:$0x1] =	stream.indirect_vreg.gather [hbm4b:s1+s3], $0x80, v3, vm0, $0xb8;
	[tilespmem:$0x18800] =	vst v63  }
0x23f: {  	v3 =	vld [tilespmem:$0x310];
	_ =	sdelay $0x4  }
0x240: {  	v41 =	vshll.u32 v3, $0x1  }
0x241: {  	v3 =	vand.u32 $0x7, v3;
	v4 =	vand.u32 $0xFFFFFFF0, v41  }
0x242: {  	v3 =	vor.u32 v3, v4  }
0x243: {  	v4 =	vperm.xlane v3, v0;
	_ =	sdelay $0x1  }
0x244: {  	v3 =	vperm.xlane v3, v2;
	v4 =	vadd.s32 v1, v4;
	_ =	sdelay $0x1  }
0x245: {  	v3 =	vadd.s32 v1, v3;
	_ =	sdelay $0x2  }
0x246: {  	[tilespmem:s9], [sflag:$0x1] =	stream.indirect_vreg.gather [hbm4b:s1+s3], $0x80, v4, vm0, $0xb8;
	[tilespmem:$0x18800] =	vst v63  }
0x247: {  	_ = 	snop  }
0x248: {  	[tilespmem:s10], [sflag:$0x1] =	stream.indirect_vreg.gather [hbm4b:s1+s3], $0x80, v3, vm0, $0xb8;
	[tilespmem:$0x18800] =	vst v63  }
0x249: {  	v3 =	vld [tilespmem:$0x320];
	_ =	sdelay $0x4  }
0x24a: {  	v42 =	vshll.u32 v3, $0x1  }
0x24b: {  	v3 =	vand.u32 $0x7, v3;
	v4 =	vand.u32 $0xFFFFFFF0, v42  }
0x24c: {  	v3 =	vor.u32 v3, v4  }
0x24d: {  	v4 =	vperm.xlane v3, v0;
	_ =	sdelay $0x1  }
0x24e: {  	v3 =	vperm.xlane v3, v2;
	v4 =	vadd.s32 v1, v4;
	_ =	sdelay $0x1  }
0x24f: {  	v3 =	vadd.s32 v1, v3;
	_ =	sdelay $0x2  }
0x250: {  	[tilespmem:s12], [sflag:$0x1] =	stream.indirect_vreg.gather [hbm4b:s1+s3], $0x80, v4, vm0, $0xb8;
	[tilespmem:$0x18800] =	vst v63  }
0x251: {  	_ = 	snop  }
0x252: {  	[tilespmem:s13], [sflag:$0x1] =	stream.indirect_vreg.gather [hbm4b:s1+s3], $0x80, v3, vm0, $0xb8;
	[tilespmem:$0x18800] =	vst v63  }
0x253: {  	v3 =	vld [tilespmem:$0x330];
	_ =	sdelay $0x4  }
0x254: {  	v43 =	vshll.u32 v3, $0x1  }
0x255: {  	v3 =	vand.u32 $0x7, v3;
	v4 =	vand.u32 $0xFFFFFFF0, v43  }
0x256: {  	v3 =	vor.u32 v3, v4  }
0x257: {  	v4 =	vperm.xlane v3, v0;
	_ =	sdelay $0x1  }
0x258: {  	v3 =	vperm.xlane v3, v2;
	v4 =	vadd.s32 v1, v4;
	_ =	sdelay $0x1  }
0x259: {  	v3 =	vadd.s32 v1, v3;
	_ =	sdelay $0x2  }
0x25a: {  	[tilespmem:s14], [sflag:$0x1] =	stream.indirect_vreg.gather [hbm4b:s1+s3], $0x80, v4, vm0, $0xb8;
	[tilespmem:$0x18800] =	vst v63  }
0x25b: {  	_ = 	snop  }
0x25c: {  	[tilespmem:s15], [sflag:$0x1] =	stream.indirect_vreg.gather [hbm4b:s1+s3], $0x80, v3, vm0, $0xb8;
	[tilespmem:$0x18800] =	vst v63  }
0x25d: {  	v3 =	vld [tilespmem:$0x340];
	_ =	sdelay $0x4  }
0x25e: {  	v44 =	vshll.u32 v3, $0x1  }
0x25f: {  	v3 =	vand.u32 $0x7, v3;
	v4 =	vand.u32 $0xFFFFFFF0, v44  }
0x260: {  	v3 =	vor.u32 v3, v4  }
0x261: {  	v4 =	vperm.xlane v3, v0;
	_ =	sdelay $0x1  }
0x262: {  	v3 =	vperm.xlane v3, v2;
	v4 =	vadd.s32 v1, v4;
	_ =	sdelay $0x1  }
0x263: {  	v3 =	vadd.s32 v1, v3;
	_ =	sdelay $0x2  }
0x264: {  	[tilespmem:s16], [sflag:$0x1] =	stream.indirect_vreg.gather [hbm4b:s1+s3], $0x80, v4, vm0, $0xb8;
	[tilespmem:$0x18800] =	vst v63  }
0x265: {  	_ = 	snop  }
0x266: {  	[tilespmem:s17], [sflag:$0x1] =	stream.indirect_vreg.gather [hbm4b:s1+s3], $0x80, v3, vm0, $0xb8;
	[tilespmem:$0x18800] =	vst v63  }
0x267: {  	v3 =	vld [tilespmem:$0x350];
	_ =	sdelay $0x4  }
0x268: {  	v45 =	vshll.u32 v3, $0x1  }
0x269: {  	v3 =	vand.u32 $0x7, v3;
	v4 =	vand.u32 $0xFFFFFFF0, v45  }
0x26a: {  	v3 =	vor.u32 v3, v4  }
0x26b: {  	v4 =	vperm.xlane v3, v0;
	_ =	sdelay $0x1  }
0x26c: {  	v3 =	vperm.xlane v3, v2;
	v4 =	vadd.s32 v1, v4;
	_ =	sdelay $0x1  }
0x26d: {  	v3 =	vadd.s32 v1, v3;
	_ =	sdelay $0x2  }
0x26e: {  	[tilespmem:s18], [sflag:$0x1] =	stream.indirect_vreg.gather [hbm4b:s1+s3], $0x80, v4, vm0, $0xb8;
	[tilespmem:$0x18800] =	vst v63  }
0x26f: {  	_ = 	snop  }
0x270: {  	[tilespmem:s19], [sflag:$0x1] =	stream.indirect_vreg.gather [hbm4b:s1+s3], $0x80, v3, vm0, $0xb8;
	[tilespmem:$0x18800] =	vst v63  }
0x271: {  	v3 =	vld [tilespmem:$0x360];
	_ =	sdelay $0x4  }
0x272: {  	v46 =	vshll.u32 v3, $0x1  }
0x273: {  	v3 =	vand.u32 $0x7, v3;
	v4 =	vand.u32 $0xFFFFFFF0, v46  }
0x274: {  	v3 =	vor.u32 v3, v4  }
0x275: {  	v4 =	vperm.xlane v3, v0;
	_ =	sdelay $0x1  }
0x276: {  	v3 =	vperm.xlane v3, v2;
	v4 =	vadd.s32 v1, v4;
	_ =	sdelay $0x1  }
0x277: {  	v3 =	vadd.s32 v1, v3;
	_ =	sdelay $0x2  }
0x278: {  	[tilespmem:s20], [sflag:$0x1] =	stream.indirect_vreg.gather [hbm4b:s1+s3], $0x80, v4, vm0, $0xb8;
	[tilespmem:$0x18800] =	vst v63  }
0x279: {  	_ = 	snop  }
0x27a: {  	[tilespmem:s21], [sflag:$0x1] =	stream.indirect_vreg.gather [hbm4b:s1+s3], $0x80, v3, vm0, $0xb8;
	[tilespmem:$0x18800] =	vst v63  }
0x27b: {  	v3 =	vld [tilespmem:$0x370];
	_ =	sdelay $0x4  }
0x27c: {  	v47 =	vshll.u32 v3, $0x1  }
0x27d: {  	v3 =	vand.u32 $0x7, v3;
	v4 =	vand.u32 $0xFFFFFFF0, v47  }
0x27e: {  	v3 =	vor.u32 v3, v4  }
0x27f: {  	v4 =	vperm.xlane v3, v0;
	_ =	sdelay $0x1  }
0x280: {  	v3 =	vperm.xlane v3, v2;
	v4 =	vadd.s32 v1, v4;
	_ =	sdelay $0x1  }
0x281: {  	v3 =	vadd.s32 v1, v3;
	_ =	sdelay $0x2  }
0x282: {  	[tilespmem:s23], [sflag:$0x1] =	stream.indirect_vreg.gather [hbm4b:s1+s3], $0x80, v4, vm0, $0xb8;
	[tilespmem:$0x18800] =	vst v63  }
0x283: {  	_ = 	snop  }
0x284: {  	[tilespmem:s24], [sflag:$0x1] =	stream.indirect_vreg.gather [hbm4b:s1+s3], $0x80, v3, vm0, $0xb8;
	[tilespmem:$0x18800] =	vst v63  }
0x285: {  	_ =	swait.ge [sflag:s31], $0x8000  }
0x286: {  	[sflag:s31] =	ssyncset.done $0x0  }
0x287: {  	s7 =	rddreg [dreg:$0x9];
	[sflag:s31] =	ssyncadd.s32 $0xFFFF8000  }
0x288: {  	[hbm4b:s7+s3] =	stream.linear.scatter [tilespmem:s11], [sflag:$0x5], $0x8000, $0x38;
	[tilespmem:$0x18800] =	vst v63  }
0x289: {  	_ =	swait.ge [sflag:s2], $0x8000  }
0x28a: {  	[sflag:s2] =	ssyncset.done $0x0  }
0x28b: {  	[sflag:s2] =	ssyncadd.s32 $0xFFFF8000  }
0x28c: {  	v3 =	vld [tilespmem:$0x380];
	_ =	sdelay $0x4  }
0x28d: {  	v48 =	vshll.u32 v3, $0x1  }
0x28e: {  	v3 =	vand.u32 $0x7, v3;
	v4 =	vand.u32 $0xFFFFFFF0, v48  }
0x28f: {  	v3 =	vor.u32 v3, v4  }
0x290: {  	v4 =	vperm.xlane v3, v0;
	_ =	sdelay $0x1  }
0x291: {  	v3 =	vperm.xlane v3, v2;
	v4 =	vadd.s32 v1, v4;
	_ =	sdelay $0x1  }
0x292: {  	v3 =	vadd.s32 v1, v3;
	_ =	sdelay $0x2  }
0x293: {  	[tilespmem:s11], [sflag:$0x2] =	stream.indirect_vreg.gather [hbm4b:s1+s3], $0x80, v4, vm0, $0xb8;
	[tilespmem:$0x18800] =	vst v63  }
0x294: {  	_ = 	snop  }
0x295: {  	[tilespmem:s25], [sflag:$0x2] =	stream.indirect_vreg.gather [hbm4b:s1+s3], $0x80, v3, vm0, $0xb8;
	[tilespmem:$0x18800] =	vst v63  }
0x296: {  	v3 =	vld [tilespmem:$0x390];
	_ =	sdelay $0x4  }
0x297: {  	v49 =	vshll.u32 v3, $0x1  }
0x298: {  	v3 =	vand.u32 $0x7, v3;
	v4 =	vand.u32 $0xFFFFFFF0, v49  }
0x299: {  	v3 =	vor.u32 v3, v4  }
0x29a: {  	v4 =	vperm.xlane v3, v0;
	_ =	sdelay $0x1  }
0x29b: {  	v3 =	vperm.xlane v3, v2;
	v4 =	vadd.s32 v1, v4;
	_ =	sdelay $0x1  }
0x29c: {  	v3 =	vadd.s32 v1, v3;
	_ =	sdelay $0x2  }
0x29d: {  	[tilespmem:s26], [sflag:$0x2] =	stream.indirect_vreg.gather [hbm4b:s1+s3], $0x80, v4, vm0, $0xb8;
	[tilespmem:$0x18800] =	vst v63  }
0x29e: {  	_ = 	snop  }
0x29f: {  	[tilespmem:s28], [sflag:$0x2] =	stream.indirect_vreg.gather [hbm4b:s1+s3], $0x80, v3, vm0, $0xb8;
	[tilespmem:$0x18800] =	vst v63  }
0x2a0: {  	v3 =	vld [tilespmem:$0x3A0];
	_ =	sdelay $0x4  }
0x2a1: {  	v50 =	vshll.u32 v3, $0x1  }
0x2a2: {  	v3 =	vand.u32 $0x7, v3;
	v4 =	vand.u32 $0xFFFFFFF0, v50  }
0x2a3: {  	v3 =	vor.u32 v3, v4  }
0x2a4: {  	v4 =	vperm.xlane v3, v0;
	_ =	sdelay $0x1  }
0x2a5: {  	v3 =	vperm.xlane v3, v2;
	v4 =	vadd.s32 v1, v4;
	_ =	sdelay $0x1  }
0x2a6: {  	v3 =	vadd.s32 v1, v3;
	_ =	sdelay $0x1  }
0x2a7: {  	s7 =	simm.s32 $0xA800  }
0x2a8: {  	[tilespmem:s7], [sflag:$0x2] =	stream.indirect_vreg.gather [hbm4b:s1+s3], $0x80, v4, vm0, $0xb8;
	[tilespmem:$0x18800] =	vst v63  }
0x2a9: {  	s7 =	simm.s32 $0xB000  }
0x2aa: {  	[tilespmem:s7], [sflag:$0x2] =	stream.indirect_vreg.gather [hbm4b:s1+s3], $0x80, v3, vm0, $0xb8;
	[tilespmem:$0x18800] =	vst v63  }
0x2ab: {  	v3 =	vld [tilespmem:$0x3B0];
	_ =	sdelay $0x4  }
0x2ac: {  	v51 =	vshll.u32 v3, $0x1  }
0x2ad: {  	v3 =	vand.u32 $0x7, v3;
	v4 =	vand.u32 $0xFFFFFFF0, v51  }
0x2ae: {  	v3 =	vor.u32 v3, v4  }
0x2af: {  	v4 =	vperm.xlane v3, v0;
	_ =	sdelay $0x1  }
0x2b0: {  	v3 =	vperm.xlane v3, v2;
	v4 =	vadd.s32 v1, v4;
	_ =	sdelay $0x1  }
0x2b1: {  	v3 =	vadd.s32 v1, v3;
	_ =	sdelay $0x1  }
0x2b2: {  	s7 =	simm.s32 $0xB800  }
0x2b3: {  	[tilespmem:s7], [sflag:$0x2] =	stream.indirect_vreg.gather [hbm4b:s1+s3], $0x80, v4, vm0, $0xb8;
	[tilespmem:$0x18800] =	vst v63  }
0x2b4: {  	s7 =	simm.s32 $0xC000  }
0x2b5: {  	[tilespmem:s7], [sflag:$0x2] =	stream.indirect_vreg.gather [hbm4b:s1+s3], $0x80, v3, vm0, $0xb8;
	[tilespmem:$0x18800] =	vst v63  }
0x2b6: {  	v3 =	vld [tilespmem:$0x3C0];
	_ =	sdelay $0x4  }
0x2b7: {  	v52 =	vshll.u32 v3, $0x1  }
0x2b8: {  	v3 =	vand.u32 $0x7, v3;
	v4 =	vand.u32 $0xFFFFFFF0, v52  }
0x2b9: {  	v3 =	vor.u32 v3, v4  }
0x2ba: {  	v4 =	vperm.xlane v3, v0;
	_ =	sdelay $0x1  }
0x2bb: {  	v3 =	vperm.xlane v3, v2;
	v4 =	vadd.s32 v1, v4;
	_ =	sdelay $0x1  }
0x2bc: {  	v3 =	vadd.s32 v1, v3;
	_ =	sdelay $0x1  }
0x2bd: {  	s7 =	simm.s32 $0xC800  }
0x2be: {  	[tilespmem:s7], [sflag:$0x2] =	stream.indirect_vreg.gather [hbm4b:s1+s3], $0x80, v4, vm0, $0xb8;
	[tilespmem:$0x18800] =	vst v63  }
0x2bf: {  	s7 =	simm.s32 $0xD000  }
0x2c0: {  	[tilespmem:s7], [sflag:$0x2] =	stream.indirect_vreg.gather [hbm4b:s1+s3], $0x80, v3, vm0, $0xb8;
	[tilespmem:$0x18800] =	vst v63  }
0x2c1: {  	v3 =	vld [tilespmem:$0x3D0];
	_ =	sdelay $0x4  }
0x2c2: {  	v53 =	vshll.u32 v3, $0x1  }
0x2c3: {  	v3 =	vand.u32 $0x7, v3;
	v4 =	vand.u32 $0xFFFFFFF0, v53  }
0x2c4: {  	v3 =	vor.u32 v3, v4  }
0x2c5: {  	v4 =	vperm.xlane v3, v0;
	_ =	sdelay $0x1  }
0x2c6: {  	v3 =	vperm.xlane v3, v2;
	v4 =	vadd.s32 v1, v4;
	_ =	sdelay $0x1  }
0x2c7: {  	v3 =	vadd.s32 v1, v3;
	_ =	sdelay $0x1  }
0x2c8: {  	s7 =	simm.s32 $0xD800  }
0x2c9: {  	[tilespmem:s7], [sflag:$0x2] =	stream.indirect_vreg.gather [hbm4b:s1+s3], $0x80, v4, vm0, $0xb8;
	[tilespmem:$0x18800] =	vst v63  }
0x2ca: {  	s7 =	simm.s32 $0xE000  }
0x2cb: {  	[tilespmem:s7], [sflag:$0x2] =	stream.indirect_vreg.gather [hbm4b:s1+s3], $0x80, v3, vm0, $0xb8;
	[tilespmem:$0x18800] =	vst v63  }
0x2cc: {  	v3 =	vld [tilespmem:$0x3E0];
	_ =	sdelay $0x4  }
0x2cd: {  	v54 =	vshll.u32 v3, $0x1  }
0x2ce: {  	v3 =	vand.u32 $0x7, v3;
	v4 =	vand.u32 $0xFFFFFFF0, v54  }
0x2cf: {  	v3 =	vor.u32 v3, v4  }
0x2d0: {  	v4 =	vperm.xlane v3, v0;
	_ =	sdelay $0x1  }
0x2d1: {  	v3 =	vperm.xlane v3, v2;
	v4 =	vadd.s32 v1, v4;
	_ =	sdelay $0x1  }
0x2d2: {  	v3 =	vadd.s32 v1, v3;
	_ =	sdelay $0x1  }
0x2d3: {  	s7 =	simm.s32 $0xE800  }
0x2d4: {  	[tilespmem:s7], [sflag:$0x2] =	stream.indirect_vreg.gather [hbm4b:s1+s3], $0x80, v4, vm0, $0xb8;
	[tilespmem:$0x18800] =	vst v63  }
0x2d5: {  	s7 =	simm.s32 $0xF000  }
0x2d6: {  	[tilespmem:s7], [sflag:$0x2] =	stream.indirect_vreg.gather [hbm4b:s1+s3], $0x80, v3, vm0, $0xb8;
	[tilespmem:$0x18800] =	vst v63  }
0x2d7: {  	v3 =	vld [tilespmem:$0x3F0];
	_ =	sdelay $0x4  }
0x2d8: {  	v55 =	vshll.u32 v3, $0x1  }
0x2d9: {  	v3 =	vand.u32 $0x7, v3;
	v4 =	vand.u32 $0xFFFFFFF0, v55  }
0x2da: {  	v3 =	vor.u32 v3, v4  }
0x2db: {  	v4 =	vperm.xlane v3, v0;
	_ =	sdelay $0x1  }
0x2dc: {  	v3 =	vperm.xlane v3, v2;
	v4 =	vadd.s32 v1, v4;
	_ =	sdelay $0x1  }
0x2dd: {  	v3 =	vadd.s32 v1, v3;
	_ =	sdelay $0x1  }
0x2de: {  	s7 =	simm.s32 $0xF800  }
0x2df: {  	[tilespmem:s7], [sflag:$0x2] =	stream.indirect_vreg.gather [hbm4b:s1+s3], $0x80, v4, vm0, $0xb8;
	[tilespmem:$0x18800] =	vst v63  }
0x2e0: {  	s7 =	simm.s32 $0x10000  }
0x2e1: {  	[tilespmem:s7], [sflag:$0x2] =	stream.indirect_vreg.gather [hbm4b:s1+s3], $0x80, v3, vm0, $0xb8;
	[tilespmem:$0x18800] =	vst v63  }
0x2e2: {  	_ =	swait.ge [sflag:s0], $0x8000  }
0x2e3: {  	[sflag:s0] =	ssyncset.done $0x0  }
0x2e4: {  	s7 =	rddreg [dreg:$0xa];
	[sflag:s0] =	ssyncadd.s32 $0xFFFF8000  }
0x2e5: {  	[hbm4b:s7+s3] =	stream.linear.scatter [tilespmem:s29], [sflag:$0x6], $0x8000, $0x38;
	[tilespmem:$0x18800] =	vst v63  }
0x2e6: {  	_ =	swait.ge [sflag:s5], $0x8000  }
0x2e7: {  	[sflag:s5] =	ssyncset.done $0x0  }
0x2e8: {  	[sflag:s5] =	ssyncadd.s32 $0xFFFF8000  }
0x2e9: {  	v3 =	vld [tilespmem:$0x400];
	_ =	sdelay $0x4  }
0x2ea: {  	v56 =	vshll.u32 v3, $0x1  }
0x2eb: {  	v3 =	vand.u32 $0x7, v3;
	v4 =	vand.u32 $0xFFFFFFF0, v56  }
0x2ec: {  	v3 =	vor.u32 v3, v4  }
0x2ed: {  	v4 =	vperm.xlane v3, v0;
	_ =	sdelay $0x1  }
0x2ee: {  	v3 =	vperm.xlane v3, v2;
	v4 =	vadd.s32 v1, v4;
	_ =	sdelay $0x1  }
0x2ef: {  	v3 =	vadd.s32 v1, v3;
	_ =	sdelay $0x2  }
0x2f0: {  	[tilespmem:s29], [sflag:$0x3] =	stream.indirect_vreg.gather [hbm4b:s1+s3], $0x80, v4, vm0, $0xb8;
	[tilespmem:$0x18800] =	vst v63  }
0x2f1: {  	s7 =	simm.s32 $0x11000  }
0x2f2: {  	[tilespmem:s7], [sflag:$0x3] =	stream.indirect_vreg.gather [hbm4b:s1+s3], $0x80, v3, vm0, $0xb8;
	[tilespmem:$0x18800] =	vst v63  }
0x2f3: {  	v3 =	vld [tilespmem:$0x410];
	_ =	sdelay $0x4  }
0x2f4: {  	v57 =	vshll.u32 v3, $0x1  }
0x2f5: {  	v3 =	vand.u32 $0x7, v3;
	v4 =	vand.u32 $0xFFFFFFF0, v57  }
0x2f6: {  	v3 =	vor.u32 v3, v4  }
0x2f7: {  	v4 =	vperm.xlane v3, v0;
	_ =	sdelay $0x1  }
0x2f8: {  	v3 =	vperm.xlane v3, v2;
	v4 =	vadd.s32 v1, v4;
	_ =	sdelay $0x1  }
0x2f9: {  	v3 =	vadd.s32 v1, v3;
	_ =	sdelay $0x1  }
0x2fa: {  	s7 =	simm.s32 $0x11800  }
0x2fb: {  	[tilespmem:s7], [sflag:$0x3] =	stream.indirect_vreg.gather [hbm4b:s1+s3], $0x80, v4, vm0, $0xb8;
	[tilespmem:$0x18800] =	vst v63  }
0x2fc: {  	s7 =	simm.s32 $0x12000  }
0x2fd: {  	[tilespmem:s7], [sflag:$0x3] =	stream.indirect_vreg.gather [hbm4b:s1+s3], $0x80, v3, vm0, $0xb8;
	[tilespmem:$0x18800] =	vst v63  }
0x2fe: {  	v3 =	vld [tilespmem:$0x420];
	_ =	sdelay $0x4  }
0x2ff: {  	v58 =	vshll.u32 v3, $0x1  }
0x300: {  	v3 =	vand.u32 $0x7, v3;
	v4 =	vand.u32 $0xFFFFFFF0, v58  }
0x301: {  	v3 =	vor.u32 v3, v4  }
0x302: {  	v4 =	vperm.xlane v3, v0;
	_ =	sdelay $0x1  }
0x303: {  	v3 =	vperm.xlane v3, v2;
	v4 =	vadd.s32 v1, v4;
	_ =	sdelay $0x1  }
0x304: {  	v3 =	vadd.s32 v1, v3;
	_ =	sdelay $0x1  }
0x305: {  	s7 =	simm.s32 $0x12800  }
0x306: {  	[tilespmem:s7], [sflag:$0x3] =	stream.indirect_vreg.gather [hbm4b:s1+s3], $0x80, v4, vm0, $0xb8;
	[tilespmem:$0x18800] =	vst v63  }
0x307: {  	s7 =	simm.s32 $0x13000  }
0x308: {  	[tilespmem:s7], [sflag:$0x3] =	stream.indirect_vreg.gather [hbm4b:s1+s3], $0x80, v3, vm0, $0xb8;
	[tilespmem:$0x18800] =	vst v63  }
0x309: {  	v3 =	vld [tilespmem:$0x430];
	_ =	sdelay $0x4  }
0x30a: {  	v59 =	vshll.u32 v3, $0x1  }
0x30b: {  	v3 =	vand.u32 $0x7, v3;
	v4 =	vand.u32 $0xFFFFFFF0, v59  }
0x30c: {  	v3 =	vor.u32 v3, v4  }
0x30d: {  	v4 =	vperm.xlane v3, v0;
	_ =	sdelay $0x1  }
0x30e: {  	v3 =	vperm.xlane v3, v2;
	v4 =	vadd.s32 v1, v4;
	_ =	sdelay $0x1  }
0x30f: {  	v3 =	vadd.s32 v1, v3;
	_ =	sdelay $0x1  }
0x310: {  	s7 =	simm.s32 $0x13800  }
0x311: {  	[tilespmem:s7], [sflag:$0x3] =	stream.indirect_vreg.gather [hbm4b:s1+s3], $0x80, v4, vm0, $0xb8;
	[tilespmem:$0x18800] =	vst v63  }
0x312: {  	s7 =	simm.s32 $0x14000  }
0x313: {  	[tilespmem:s7], [sflag:$0x3] =	stream.indirect_vreg.gather [hbm4b:s1+s3], $0x80, v3, vm0, $0xb8;
	[tilespmem:$0x18800] =	vst v63  }
0x314: {  	v3 =	vld [tilespmem:$0x440];
	_ =	sdelay $0x4  }
0x315: {  	v60 =	vshll.u32 v3, $0x1  }
0x316: {  	v3 =	vand.u32 $0x7, v3;
	v4 =	vand.u32 $0xFFFFFFF0, v60  }
0x317: {  	v3 =	vor.u32 v3, v4  }
0x318: {  	v4 =	vperm.xlane v3, v0;
	_ =	sdelay $0x1  }
0x319: {  	v3 =	vperm.xlane v3, v2;
	v4 =	vadd.s32 v1, v4;
	_ =	sdelay $0x1  }
0x31a: {  	v3 =	vadd.s32 v1, v3;
	_ =	sdelay $0x1  }
0x31b: {  	s7 =	simm.s32 $0x14800  }
0x31c: {  	[tilespmem:s7], [sflag:$0x3] =	stream.indirect_vreg.gather [hbm4b:s1+s3], $0x80, v4, vm0, $0xb8;
	[tilespmem:$0x18800] =	vst v63  }
0x31d: {  	s7 =	simm.s32 $0x15000  }
0x31e: {  	[tilespmem:s7], [sflag:$0x3] =	stream.indirect_vreg.gather [hbm4b:s1+s3], $0x80, v3, vm0, $0xb8;
	[tilespmem:$0x18800] =	vst v63  }
0x31f: {  	v3 =	vld [tilespmem:$0x450];
	_ =	sdelay $0x4  }
0x320: {  	v61 =	vshll.u32 v3, $0x1  }
0x321: {  	v3 =	vand.u32 $0x7, v3;
	v4 =	vand.u32 $0xFFFFFFF0, v61  }
0x322: {  	v3 =	vor.u32 v3, v4  }
0x323: {  	v4 =	vperm.xlane v3, v0;
	_ =	sdelay $0x1  }
0x324: {  	v3 =	vperm.xlane v3, v2;
	v4 =	vadd.s32 v1, v4;
	_ =	sdelay $0x1  }
0x325: {  	v3 =	vadd.s32 v1, v3;
	_ =	sdelay $0x1  }
0x326: {  	s7 =	simm.s32 $0x15800  }
0x327: {  	[tilespmem:s7], [sflag:$0x3] =	stream.indirect_vreg.gather [hbm4b:s1+s3], $0x80, v4, vm0, $0xb8;
	[tilespmem:$0x18800] =	vst v63  }
0x328: {  	s7 =	simm.s32 $0x16000  }
0x329: {  	[tilespmem:s7], [sflag:$0x3] =	stream.indirect_vreg.gather [hbm4b:s1+s3], $0x80, v3, vm0, $0xb8;
	[tilespmem:$0x18800] =	vst v63  }
0x32a: {  	v3 =	vld [tilespmem:$0x460];
	_ =	sdelay $0x4  }
0x32b: {  	v62 =	vshll.u32 v3, $0x1  }
0x32c: {  	v3 =	vand.u32 $0x7, v3;
	v4 =	vand.u32 $0xFFFFFFF0, v62  }
0x32d: {  	v3 =	vor.u32 v3, v4  }
0x32e: {  	v4 =	vperm.xlane v3, v0;
	_ =	sdelay $0x1  }
0x32f: {  	v3 =	vperm.xlane v3, v2;
	v4 =	vadd.s32 v1, v4;
	_ =	sdelay $0x1  }
0x330: {  	v3 =	vadd.s32 v1, v3;
	_ =	sdelay $0x1  }
0x331: {  	s7 =	simm.s32 $0x16800  }
0x332: {  	[tilespmem:s7], [sflag:$0x3] =	stream.indirect_vreg.gather [hbm4b:s1+s3], $0x80, v4, vm0, $0xb8;
	[tilespmem:$0x18800] =	vst v63  }
0x333: {  	s7 =	simm.s32 $0x17000  }
0x334: {  	[tilespmem:s7], [sflag:$0x3] =	stream.indirect_vreg.gather [hbm4b:s1+s3], $0x80, v3, vm0, $0xb8;
	[tilespmem:$0x18800] =	vst v63  }
0x335: {  	v3 =	vld [tilespmem:$0x470];
	_ =	sdelay $0x4  }
0x336: {  	v63 =	vshll.u32 v3, $0x1  }
0x337: {  	v3 =	vand.u32 $0x7, v3;
	v4 =	vand.u32 $0xFFFFFFF0, v63  }
0x338: {  	v3 =	vor.u32 v3, v4  }
0x339: {  	v4 =	vperm.xlane v3, v0;
	_ =	sdelay $0x1  }
0x33a: {  	v3 =	vperm.xlane v3, v2;
	v4 =	vadd.s32 v1, v4;
	_ =	sdelay $0x1  }
0x33b: {  	v3 =	vadd.s32 v1, v3;
	_ =	sdelay $0x1  }
0x33c: {  	s7 =	simm.s32 $0x17800  }
0x33d: {  	[tilespmem:s7], [sflag:$0x3] =	stream.indirect_vreg.gather [hbm4b:s1+s3], $0x80, v4, vm0, $0xb8;
	[tilespmem:$0x18800] =	vst v63  }
0x33e: {  	s7 =	simm.s32 $0x18000  }
0x33f: {  	[tilespmem:s7], [sflag:$0x3] =	stream.indirect_vreg.gather [hbm4b:s1+s3], $0x80, v3, vm0, $0xb8;
	[tilespmem:$0x18800] =	vst v63  }
0x340: {  	_ =	swait.ge [sflag:s6], $0x8000  }
0x341: {  	[sflag:s6] =	ssyncset.done $0x0  }
0x342: {  	s7 =	rddreg [dreg:$0xb];
	[sflag:s6] =	ssyncadd.s32 $0xFFFF8000  }
0x343: {  	[hbm4b:s7+s3] =	stream.linear.scatter [tilespmem:s22], [sflag:$0x4], $0x8000, $0x38;
	[tilespmem:$0x18800] =	vst v63  }
0x344: {  	_ =	swait.ge [sflag:s31], $0x8000  }
0x345: {  	[sflag:s31] =	ssyncset.done $0x0  }
0x346: {  	s7 =	rddreg [dreg:$0xc];
	[sflag:s31] =	ssyncadd.s32 $0xFFFF8000  }
0x347: {  	[hbm4b:s7+s3] =	stream.linear.scatter [tilespmem:s11], [sflag:$0x5], $0x8000, $0x38;
	[tilespmem:$0x18800] =	vst v63  }
0x348: {  	_ =	swait.ge [sflag:s0], $0x8000  }
0x349: {  	[sflag:s0] =	ssyncset.done $0x0  }
0x34a: {  	s7 =	rddreg [dreg:$0xd];
	[sflag:s0] =	ssyncadd.s32 $0xFFFF8000  }
0x34b: {  	[hbm4b:s7+s3] =	stream.linear.scatter [tilespmem:s29], [sflag:$0x6], $0x8000, $0x38;
	[tilespmem:$0x18800] =	vst v63  }
0x34c: {  	_ =	swait.ge [sflag:s30], $0x8000  }
0x34d: {  	[sflag:s30] =	ssyncset.done $0x0  }
0x34e: {  	[sflag:s30] =	ssyncadd.s32 $0xFFFF8000  }
0x34f: {  	p0 =	sne.s32 s4, $0x1;
	_ =	swait.ge [sflag:s2], $0x8000  }
.Ltmp0:
0x350: {  	[sflag:s2] =	ssyncset.done $0x0;
	(pc) =	sbr.rel @p0 .LBB2_1-.Ltmp0, $4  }
0x351: {  	[sflag:s2] =	ssyncadd.s32 $0xFFFF8000  }
0x352: {  	_ =	swait.ge [sflag:s5], $0x8000  }
0x353: {  	[sflag:s5] =	ssyncset.done $0x0  }
0x354: {  	s4 =	sadd.s32 $0xFFFFFFFF, s4;
	[sflag:s5] =	ssyncadd.s32 $0xFFFF8000  }
0x355: {  	_ =	sfence.sel $0x180000  }
0x356: {  	[bflag:$0x0] =	sbarrier.arrive $0xFFFF  }
0x357: {  	_ =	strace $0x90000047  }
0x358: {  	s0 =	stileid.u32;
	[bflag:$0x2] =	sbarrier.arrive $0xFFFF  }
0x359: {  	p0 =	sne.s32 s0, $0x0;
	s0 =	rddreg [dreg:$0x3]  }
0x35a: {  	s0 =	sadd.s32 @!p0 $0x100000, s0  }
0x35b: {  	[sflag:s0] =	ssyncadd.tile.s32 @!p0 $0x1;
	_ =	shalt  }
.Lfunc_end2:
_tile_overlayer_lowered:
.L_overlay_start_2:
0x35c: {  	(tag) =	ssettag $0x2  }
0x35d: {  	s0 =	rddreg [dreg:$0x0];
	s2 =	stileid.u32  }
0x35e: {  	s1 =	rddreg [dreg:$0x1];
	p0 =	sne.s32 s2, $0x0  }
0x35f: {  	s3 =	rddreg [dreg:$0x2];
	[bflag:$0x3] =	sbarrier.arrive $0xFFFF;
	s2 =	simm.s32 @!p0 $0x1C07  }
0x360: {  	[timem:s3], [sflag:s2] =	dma.local @!p0 [hbm:s0], s1  }
0x361: {  	s0 =	simm.s32 @!p0 $0x7  }
0x362: {  	_ =	swait.ge @!p0 [sflag:s0], s1  }
0x363: {  	s1 =	ssub.s32 @!p0 $0x0, s1;
	[sflag:s0] =	ssyncset.done @!p0 $0x0  }
0x364: {  	[sflag:s0] =	ssyncadd.s32 @!p0 s1  }
0x365: {  	[bflag:$0x3] =	sbarrier.arrive $0xFFFF  }
0x366: {  	_ =	shalt  }

</sc_bundles>
